<compile_context>
chip_gen: v7x
topology: tpu7x:2x2x1
jax: 0.10.2.dev20260603
libtpu: 0.0.44.dev20260713+nightly
codegen_flags: <defaults>
</compile_context>

<pallas_src>
import dataclasses
import functools

import jax
import jax.numpy as jnp
from jax import lax
from jax.experimental import pallas as pl
from jax.experimental.pallas import tpu as pltpu
from jax.experimental.pallas import tpu_sc as plsc

N_NODES = 10000
N_EDGES = 320000
LATENT = 128
INPUT = 128

NC = 2
NS = 16
NW = NC * NS
K = 64
NBT = N_EDGES // K
NB2 = NBT // NW
NBC = NB2 // 2
NTAIL = NBT - NB2 * NW
N_PAD = 10240
RPW = N_PAD // NS
KI = 64
NI = RPW // KI


def _sc_segment_sum(z, sources, sinks, zrow_zeros, cnt_zeros):
    mesh = plsc.VectorSubcoreMesh(
        core_axis_name="c", subcore_axis_name="s",
        num_cores=NC, num_subcores=NS)

    cp = pltpu.CompilerParams()
    if "needs_layout_passes" in pltpu.CompilerParams.__dataclass_fields__:
        cp = dataclasses.replace(cp, needs_layout_passes=False)

    @functools.partial(
        pl.kernel,
        out_type=[
            jax.ShapeDtypeStruct((NC, N_PAD, LATENT), jnp.float32),
            jax.ShapeDtypeStruct((NC, NS, N_PAD), jnp.float32),
        ],
        compiler_params=cp,
        mesh=mesh,
        scratch_types=[
            pltpu.VMEM_SHARED((N_PAD, LATENT), jnp.float32),
            pltpu.VMEM((1, K), jnp.int32),
            pltpu.VMEM((1, K), jnp.int32),
            pltpu.VMEM((1, K), jnp.int32),
            pltpu.VMEM((1, K), jnp.int32),
            pltpu.VMEM((1, K), jnp.int32),
            pltpu.VMEM((1, K), jnp.int32),
            pltpu.VMEM((1, K), jnp.int32),
            pltpu.VMEM((1, K), jnp.int32),
            pltpu.VMEM((NI, KI), jnp.int32),
            pltpu.VMEM((K, LATENT), jnp.float32),
            pltpu.VMEM((K, LATENT), jnp.float32),
            pltpu.VMEM((K, LATENT), jnp.float32),
            pltpu.VMEM((K, LATENT), jnp.float32),
            pltpu.VMEM((N_PAD,), jnp.float32),
            pltpu.SemaphoreType.DMA,
            pltpu.SemaphoreType.DMA,
            pltpu.SemaphoreType.DMA,
            pltpu.SemaphoreType.DMA,
            pltpu.SemaphoreType.DMA,
            pltpu.SemaphoreType.DMA,
            pltpu.SemaphoreType.DMA,
            pltpu.SemaphoreType.DMA,
            pltpu.SemaphoreType.DMA,
            pltpu.SemaphoreType.DMA,
            pltpu.SemaphoreType.DMA,
            pltpu.SemaphoreType.DMA,
            pltpu.SemaphoreType.DMA,
        ],
    )
    def sc_kernel(z_hbm, src_hbm, snk_hbm, ar_hbm, zz_hbm, cz_hbm,
                  a_out, c_out, acc,
                  sidx_a, tidx_a, sidx_b, tidx_b,
                  sidx_c, tidx_c, sidx_d, tidx_d, iidx8,
                  rows_a, rows_b, rows_c, rows_d, cnt_v,
                  sem, is_a, is_b, is_c, is_d,
                  gs_a, gs_b, gs_c, gs_d, ss_a, ss_b, ss_c, ss_d):
        c = lax.axis_index("c")
        s = lax.axis_index("s")
        wid = c * NS + s
        ones16 = jnp.ones((16,), jnp.float32)
        zrow = rows_a.at[pl.ds(0, KI)]

        def load_idx(b, sidx, tidx, isem):
            base = b * K
            pltpu.async_copy(src_hbm.at[pl.ds(base, K)], sidx.at[0], isem)
            pltpu.async_copy(snk_hbm.at[pl.ds(base, K)], tidx.at[0], isem)

        def wait_idx(sidx, tidx, isem):
            pltpu.make_async_copy(src_hbm.at[pl.ds(0, K)], sidx.at[0],
                                  isem).wait()
            pltpu.make_async_copy(snk_hbm.at[pl.ds(0, K)], tidx.at[0],
                                  isem).wait()

        def issue_gather(tidx, rows, gsem):
            pltpu.async_copy(z_hbm.at[tidx.at[0]], rows, gsem)

        def wait_gather(tidx, rows, gsem):
            pltpu.make_async_copy(z_hbm.at[tidx.at[0]], rows, gsem).wait()

        def issue_scat(rows, sidx, ssem):
            pltpu.async_copy(rows, acc.at[sidx.at[0]], ssem, add=True)

        def wait_scat(rows, sidx, ssem):
            pltpu.make_async_copy(rows, acc.at[sidx.at[0]], ssem).wait()

        def counts(sidx):
            @pl.loop(0, K // 16)
            def _(jj):
                idx16 = sidx[0, pl.ds(jj * 16, 16)]
                plsc.addupdate_scatter(cnt_v, [idx16], ones16)

        pltpu.sync_copy(zz_hbm, zrow)
        pltpu.sync_copy(cz_hbm, cnt_v)
        pltpu.sync_copy(ar_hbm.at[s], iidx8)

        @pl.loop(0, NI)
        def _(j):
            pltpu.async_copy(zrow, acc.at[iidx8.at[j]], sem)

        b1 = wid * NB2
        b2 = b1 + NBC
        load_idx(b1, sidx_a, tidx_a, is_a)
        load_idx(b2, sidx_c, tidx_c, is_c)
        load_idx(b1 + 1, sidx_b, tidx_b, is_b)
        load_idx(b2 + 1, sidx_d, tidx_d, is_d)

        @pl.loop(0, NI)
        def _(j):
            pltpu.make_async_copy(zrow, acc.at[iidx8.at[0]], sem).wait()

        plsc.subcore_barrier()

        wait_idx(sidx_a, tidx_a, is_a)
        issue_gather(tidx_a, rows_a, gs_a)
        wait_idx(sidx_c, tidx_c, is_c)
        issue_gather(tidx_c, rows_c, gs_c)

        @pl.loop(0, NBC // 2)
        def _(j):
            e = 2 * j
            wait_gather(tidx_a, rows_a, gs_a)
            issue_scat(rows_a, sidx_a, ss_a)
            wait_gather(tidx_c, rows_c, gs_c)
            issue_scat(rows_c, sidx_c, ss_c)
            counts(sidx_a)
            counts(sidx_c)
            wait_idx(sidx_b, tidx_b, is_b)
            issue_gather(tidx_b, rows_b, gs_b)
            wait_idx(sidx_d, tidx_d, is_d)
            issue_gather(tidx_d, rows_d, gs_d)
            wait_scat(rows_a, sidx_a, ss_a)
            wait_scat(rows_c, sidx_c, ss_c)

            @pl.when(e + 2 < NBC)
            def _():
                load_idx(b1 + e + 2, sidx_a, tidx_a, is_a)
                load_idx(b2 + e + 2, sidx_c, tidx_c, is_c)

            wait_gather(tidx_b, rows_b, gs_b)
            issue_scat(rows_b, sidx_b, ss_b)
            wait_gather(tidx_d, rows_d, gs_d)
            issue_scat(rows_d, sidx_d, ss_d)
            counts(sidx_b)
            counts(sidx_d)

            @pl.when(e + 2 < NBC)
            def _():
                wait_idx(sidx_a, tidx_a, is_a)
                issue_gather(tidx_a, rows_a, gs_a)
                wait_idx(sidx_c, tidx_c, is_c)
                issue_gather(tidx_c, rows_c, gs_c)

            wait_scat(rows_b, sidx_b, ss_b)
            wait_scat(rows_d, sidx_d, ss_d)

            @pl.when(e + 3 < NBC)
            def _():
                load_idx(b1 + e + 3, sidx_b, tidx_b, is_b)
                load_idx(b2 + e + 3, sidx_d, tidx_d, is_d)

        @pl.when(wid < NTAIL)
        def _():
            load_idx(NB2 * NW + wid, sidx_a, tidx_a, is_a)
            wait_idx(sidx_a, tidx_a, is_a)
            pltpu.async_copy(z_hbm.at[tidx_a.at[0]], rows_a, gs_a).wait()
            issue_scat(rows_a, sidx_a, ss_a)
            counts(sidx_a)
            wait_scat(rows_a, sidx_a, ss_a)

        plsc.subcore_barrier()

        pltpu.async_copy(cnt_v, c_out.at[c, s], sem)
        ra = rows_a.at[pl.ds(0, KI)]
        rb = rows_b.at[pl.ds(0, KI)]

        def spg(j, rows, gsem):
            pltpu.async_copy(acc.at[iidx8.at[j]], rows, gsem)

        def wait_spg(rows, gsem):
            pltpu.make_async_copy(acc.at[iidx8.at[0]], rows, gsem).wait()

        def wout(j, rows, wsem):
            pltpu.async_copy(rows, a_out.at[c, pl.ds(s * RPW + j * KI, KI)],
                             wsem)

        def wait_wout(rows, wsem):
            pltpu.make_async_copy(rows, a_out.at[c, pl.ds(0, KI)],
                                  wsem).wait()

        spg(0, ra, gs_a)

        @pl.loop(0, NI // 2)
        def _(j):
            e = 2 * j
            wait_spg(ra, gs_a)
            wout(e, ra, ss_a)
            spg(e + 1, rb, gs_b)
            wait_spg(rb, gs_b)
            wout(e + 1, rb, ss_b)
            wait_wout(ra, ss_a)

            @pl.when(e + 2 < NI)
            def _():
                spg(e + 2, ra, gs_a)

            wait_wout(rb, ss_b)

        pltpu.make_async_copy(cnt_v, c_out.at[c, s], sem).wait()

    return sc_kernel(z, sources, sinks,
                     jnp.arange(N_PAD, dtype=jnp.int32).reshape(NS, NI, KI),
                     zrow_zeros, cnt_zeros)


def _tc_keys_term(keys, w1t, b2):
    BLK = 1024

    def body(keys_b, w1_b, b_b, o_b):
        o_b[...] = jnp.dot(keys_b[...], w1_b[...],
                           preferred_element_type=jnp.float32) + b_b[...]

    return pl.pallas_call(
        body,
        grid=((N_NODES + BLK - 1) // BLK,),
        in_specs=[pl.BlockSpec((BLK, LATENT), lambda i: (i, 0)),
                  pl.BlockSpec((LATENT, LATENT), lambda i: (0, 0)),
                  pl.BlockSpec((1, INPUT), lambda i: (0, 0))],
        out_specs=pl.BlockSpec((BLK, INPUT), lambda i: (i, 0)),
        out_shape=jax.ShapeDtypeStruct((N_NODES, INPUT), jnp.float32),
    )(keys, w1t, b2)


def _tc_combine(kk, a_part, cw, w2t):
    BLK = 1024

    def body(kk_b, ap_b, cw_b, w2_b, o_b):
        cnt = jnp.sum(cw_b[...], axis=0)[:, None]
        aa = jnp.dot(ap_b[0] + ap_b[1], w2_b[...],
                     preferred_element_type=jnp.float32)
        o_b[...] = (cnt * kk_b[...] + aa) / jnp.maximum(cnt, 1.0)

    return pl.pallas_call(
        body,
        grid=((N_NODES + BLK - 1) // BLK,),
        in_specs=[pl.BlockSpec((BLK, INPUT), lambda i: (i, 0)),
                  pl.BlockSpec((NC, BLK, LATENT), lambda i: (0, i, 0)),
                  pl.BlockSpec((NW, BLK), lambda i: (0, i)),
                  pl.BlockSpec((LATENT, LATENT), lambda i: (0, 0))],
        out_specs=pl.BlockSpec((BLK, INPUT), lambda i: (i, 0)),
        out_shape=jax.ShapeDtypeStruct((N_NODES, INPUT), jnp.float32),
    )(kk, a_part, cw, w2t)


def kernel(z, keys, source_sink, W, b):
    zrow_zeros = jnp.zeros((KI, LATENT), jnp.float32)
    cnt_zeros = jnp.zeros((N_PAD,), jnp.float32)
    a_part, c_part = _sc_segment_sum(z, source_sink[0], source_sink[1],
                                     zrow_zeros, cnt_zeros)
    kk = _tc_keys_term(keys, W[:, :LATENT].T, b.reshape(1, INPUT))
    return _tc_combine(kk, a_part, c_part.reshape(NW, N_PAD),
                       W[:, LATENT:].T)

# --- scband reference (transcript-rebuilt; emitter-appended) ---
"""Pipeline reference for scband-dot-decoder-70531952935635 (READ-ONLY COPY).

The authoritative reference and input builder live on the scoring server;
editing this copy changes nothing except your own understanding.
"""

import jax, jax.numpy as jnp
import numpy as np

N_NODES = 10000
N_EDGES = 320000
LATENT = 128
INPUT = 128


def setup_inputs(seed: int = 0) -> dict:
    key = jax.random.key(seed)
    k1, k2, k3, k4, k5 = jax.random.split(key, 5)
    z = jax.random.normal(k1, (N_NODES, LATENT), dtype=jnp.float32)
    keys = jax.random.normal(k2, (N_NODES, LATENT), dtype=jnp.float32)
    source_sink = jax.random.randint(k3, (2, N_EDGES), 0, N_NODES, dtype=jnp.int32)
    # Linear(2*latent_size, input_size): weight [INPUT, 2*LATENT], bias [INPUT]
    W = (jax.random.normal(k4, (INPUT, 2 * LATENT), dtype=jnp.float32) * (1.0 / np.sqrt(2 * LATENT)))
    b = (jax.random.uniform(k5, (INPUT,), dtype=jnp.float32) - 0.5) * (2.0 / np.sqrt(2 * LATENT))
    return {"z": z, "keys": keys, "source_sink": source_sink, "W": W, "b": b}


def reference(z, keys, source_sink, W, b):
    sources = source_sink[0]
    sinks = source_sink[1]
    # gather: keys[sources], z[sinks]
    h = jnp.concatenate([jnp.take(keys, sources, axis=0), jnp.take(z, sinks, axis=0)], axis=-1)
    mapped = h @ W.T + b  # Linear(2*latent, input)
    # scatter_mean(mapped, sources, dim=0)
    sums = jax.ops.segment_sum(mapped, sources, num_segments=N_NODES)
    counts = jax.ops.segment_sum(jnp.ones((sources.shape[0],), dtype=mapped.dtype), sources, num_segments=N_NODES)
    reduced = sums / jnp.maximum(counts, 1.0)[:, None]
    return reduced

if __name__ == "__main__":
    import jax
    _d = setup_inputs()
    print(jax.jit(kernel)(*tuple(_d.values())))

</pallas_src>

<mosaic_0001>
#map = affine_map<(d0, d1) -> (0, 0)>
#map1 = affine_map<(d0, d1) -> (0)>
#map2 = affine_map<(d0, d1) -> (0, 0, 0)>
module attributes {stable_mosaic.version = 14 : i64} {
  func.func @sc_kernel(%arg0: i32, %arg1: i32, %arg2: memref<10000x128xf32, #tpu.memory_space<hbm>>, %arg3: memref<320000xi32, #tpu.memory_space<hbm>>, %arg4: memref<320000xi32, #tpu.memory_space<hbm>>, %arg5: memref<16x10x64xi32, #tpu.memory_space<hbm>>, %arg6: memref<64x128xf32, #tpu.memory_space<hbm>>, %arg7: memref<10240xf32, #tpu.memory_space<hbm>>, %arg8: memref<2x10240x128xf32, #tpu.memory_space<hbm>>, %arg9: memref<2x16x10240xf32, #tpu.memory_space<hbm>>, %arg10: memref<10240x128xf32, #tpu.memory_space<vmem_shared>>, %arg11: memref<1x64xi32, #tpu.memory_space<vmem>>, %arg12: memref<1x64xi32, #tpu.memory_space<vmem>>, %arg13: memref<1x64xi32, #tpu.memory_space<vmem>>, %arg14: memref<1x64xi32, #tpu.memory_space<vmem>>, %arg15: memref<1x64xi32, #tpu.memory_space<vmem>>, %arg16: memref<1x64xi32, #tpu.memory_space<vmem>>, %arg17: memref<1x64xi32, #tpu.memory_space<vmem>>, %arg18: memref<1x64xi32, #tpu.memory_space<vmem>>, %arg19: memref<10x64xi32, #tpu.memory_space<vmem>>, %arg20: memref<64x128xf32, #tpu.memory_space<vmem>>, %arg21: memref<64x128xf32, #tpu.memory_space<vmem>>, %arg22: memref<64x128xf32, #tpu.memory_space<vmem>>, %arg23: memref<64x128xf32, #tpu.memory_space<vmem>>, %arg24: memref<10240xf32, #tpu.memory_space<vmem>>, %arg25: memref<!tpu.dma_semaphore, #tpu.memory_space<semaphore_mem>>, %arg26: memref<!tpu.dma_semaphore, #tpu.memory_space<semaphore_mem>>, %arg27: memref<!tpu.dma_semaphore, #tpu.memory_space<semaphore_mem>>, %arg28: memref<!tpu.dma_semaphore, #tpu.memory_space<semaphore_mem>>, %arg29: memref<!tpu.dma_semaphore, #tpu.memory_space<semaphore_mem>>, %arg30: memref<!tpu.dma_semaphore, #tpu.memory_space<semaphore_mem>>, %arg31: memref<!tpu.dma_semaphore, #tpu.memory_space<semaphore_mem>>, %arg32: memref<!tpu.dma_semaphore, #tpu.memory_space<semaphore_mem>>, %arg33: memref<!tpu.dma_semaphore, #tpu.memory_space<semaphore_mem>>, %arg34: memref<!tpu.dma_semaphore, #tpu.memory_space<semaphore_mem>>, %arg35: memref<!tpu.dma_semaphore, #tpu.memory_space<semaphore_mem>>, %arg36: memref<!tpu.dma_semaphore, #tpu.memory_space<semaphore_mem>>, %arg37: memref<!tpu.dma_semaphore, #tpu.memory_space<semaphore_mem>>) attributes {dimension_semantics = [#tpu.dimension_semantics<core_parallel>, #tpu.dimension_semantics<subcore_parallel>], iteration_bounds = array<i64: 2, 16>, scalar_prefetch = 0 : i64, scratch_operands = 28 : i64, tpu.core_type = #tpu.core_type<sc_vector_subcore>, window_params = [{transform_indices = #map}, {transform_indices = #map1}, {transform_indices = #map1}, {transform_indices = #map2}, {transform_indices = #map}, {transform_indices = #map1}, {transform_indices = #map2}, {transform_indices = #map2}]} {
    %mul3A = arith.constant 16 : i32
    %mul3A_0 = arith.muli %arg0, %mul3A : i32
    %add3A = arith.addi %mul3A_0, %arg1 : i32
    %broadcast_in_dim3A = arith.constant 1.000000e+00 : f32
    %broadcast_in_dim3A_1 = vector.broadcast %broadcast_in_dim3A : f32 to vector<16xf32>
    "tpu.region"() ({
      %run_scoped3A = tpu.sem_alloc : memref<!tpu.dma_semaphore, #tpu.memory_space<semaphore_mem>>
      %dma_start3A_190 = arith.constant 0 : i32
      %dma_start3A_191 = arith.constant 0 : i32
      %dma_start3A_192 = tpu.memref_slice %arg20[%dma_start3A_190, %dma_start3A_191] : memref<64x128xf32, #tpu.memory_space<vmem>> -> memref<64x128xf32, #tpu.memory_space<vmem>>
      %dma_start3A_193 = arith.constant 0 : i32
      %dma_start3A_194 = arith.constant 0 : i32
      %dma_start3A_195 = tpu.memref_slice %arg20[%dma_start3A_193, %dma_start3A_194] : memref<64x128xf32, #tpu.memory_space<vmem>> -> memref<64x128xf32, #tpu.memory_space<vmem>>
      tpu.enqueue_dma source(%arg6 : memref<64x128xf32, #tpu.memory_space<hbm>>) target(%dma_start3A_195 : memref<64x128xf32, #tpu.memory_space<vmem>>) target_semaphore(%run_scoped3A : memref<!tpu.dma_semaphore, #tpu.memory_space<semaphore_mem>>)
      %dma_wait3A_196 = arith.constant 0 : i32
      %dma_wait3A_197 = arith.constant 0 : i32
      %dma_wait3A_198 = tpu.memref_slice %arg20[%dma_wait3A_196, %dma_wait3A_197] : memref<64x128xf32, #tpu.memory_space<vmem>> -> memref<64x128xf32, #tpu.memory_space<vmem>>
      %dma_wait3A_199 = arith.constant 0 : i32
      %dma_wait3A_200 = arith.constant 0 : i32
      %dma_wait3A_201 = tpu.memref_slice %arg20[%dma_wait3A_199, %dma_wait3A_200] : memref<64x128xf32, #tpu.memory_space<vmem>> -> memref<64x128xf32, #tpu.memory_space<vmem>>
      tpu.wait_dma2 semaphore(%run_scoped3A : memref<!tpu.dma_semaphore, #tpu.memory_space<semaphore_mem>>) src(%arg6 : memref<64x128xf32, #tpu.memory_space<hbm>>) dst(%dma_wait3A_201 : memref<64x128xf32, #tpu.memory_space<vmem>>)
      tpu.yield
    }) : () -> ()
    "tpu.region"() ({
      %run_scoped3A = tpu.sem_alloc : memref<!tpu.dma_semaphore, #tpu.memory_space<semaphore_mem>>
      tpu.enqueue_dma source(%arg7 : memref<10240xf32, #tpu.memory_space<hbm>>) target(%arg24 : memref<10240xf32, #tpu.memory_space<vmem>>) target_semaphore(%run_scoped3A : memref<!tpu.dma_semaphore, #tpu.memory_space<semaphore_mem>>)
      tpu.wait_dma2 semaphore(%run_scoped3A : memref<!tpu.dma_semaphore, #tpu.memory_space<semaphore_mem>>) src(%arg7 : memref<10240xf32, #tpu.memory_space<hbm>>) dst(%arg24 : memref<10240xf32, #tpu.memory_space<vmem>>)
      tpu.yield
    }) : () -> ()
    "tpu.region"() ({
      %run_scoped3A = tpu.sem_alloc : memref<!tpu.dma_semaphore, #tpu.memory_space<semaphore_mem>>
      %dma_start3A_190 = arith.constant 0 : i32
      %dma_start3A_191 = arith.constant 0 : i32
      %dma_start3A_192 = tpu.memref_slice %arg5[%arg1, %dma_start3A_190, %dma_start3A_191] : memref<16x10x64xi32, #tpu.memory_space<hbm>> -> memref<1x10x64xi32, #tpu.memory_space<hbm>>
      %dma_start3A_193 = tpu.memref_squeeze %dma_start3A_192 : memref<1x10x64xi32, #tpu.memory_space<hbm>> -> memref<10x64xi32, #tpu.memory_space<hbm>>
      %dma_start3A_194 = arith.constant 0 : i32
      %dma_start3A_195 = arith.constant 0 : i32
      %dma_start3A_196 = tpu.memref_slice %arg5[%arg1, %dma_start3A_194, %dma_start3A_195] : memref<16x10x64xi32, #tpu.memory_space<hbm>> -> memref<1x10x64xi32, #tpu.memory_space<hbm>>
      %dma_start3A_197 = tpu.memref_squeeze %dma_start3A_196 : memref<1x10x64xi32, #tpu.memory_space<hbm>> -> memref<10x64xi32, #tpu.memory_space<hbm>>
      tpu.enqueue_dma source(%dma_start3A_197 : memref<10x64xi32, #tpu.memory_space<hbm>>) target(%arg19 : memref<10x64xi32, #tpu.memory_space<vmem>>) target_semaphore(%run_scoped3A : memref<!tpu.dma_semaphore, #tpu.memory_space<semaphore_mem>>)
      %dma_wait3A_198 = arith.constant 0 : i32
      %dma_wait3A_199 = arith.constant 0 : i32
      %dma_wait3A_200 = tpu.memref_slice %arg5[%arg1, %dma_wait3A_198, %dma_wait3A_199] : memref<16x10x64xi32, #tpu.memory_space<hbm>> -> memref<1x10x64xi32, #tpu.memory_space<hbm>>
      %dma_wait3A_201 = tpu.memref_squeeze %dma_wait3A_200 : memref<1x10x64xi32, #tpu.memory_space<hbm>> -> memref<10x64xi32, #tpu.memory_space<hbm>>
      %dma_wait3A_202 = arith.constant 0 : i32
      %dma_wait3A_203 = arith.constant 0 : i32
      %dma_wait3A_204 = tpu.memref_slice %arg5[%arg1, %dma_wait3A_202, %dma_wait3A_203] : memref<16x10x64xi32, #tpu.memory_space<hbm>> -> memref<1x10x64xi32, #tpu.memory_space<hbm>>
      %dma_wait3A_205 = tpu.memref_squeeze %dma_wait3A_204 : memref<1x10x64xi32, #tpu.memory_space<hbm>> -> memref<10x64xi32, #tpu.memory_space<hbm>>
      tpu.wait_dma2 semaphore(%run_scoped3A : memref<!tpu.dma_semaphore, #tpu.memory_space<semaphore_mem>>) src(%dma_wait3A_205 : memref<10x64xi32, #tpu.memory_space<hbm>>) dst(%arg19 : memref<10x64xi32, #tpu.memory_space<vmem>>)
      tpu.yield
    }) : () -> ()
    %scan3A = arith.constant 0 : i32
    %scan3A_2 = arith.constant 10 : i32
    %scan3A_3 = arith.addi %scan3A, %scan3A_2 : i32
    %scan3A_4 = arith.constant 1 : i32
    scf.for %scan3A_190 = %scan3A to %scan3A_3 step %scan3A_4  : i32 {
      %mul3A_191 = arith.constant 1 : i32
      %mul3A_192 = arith.muli %scan3A_190, %mul3A_191 : i32
      %add3A_193 = arith.constant 0 : i32
      %add3A_194 = arith.addi %add3A_193, %mul3A_192 : i32
      %dma_start3A_195 = arith.constant 0 : i32
      %dma_start3A_196 = arith.constant 0 : i32
      %dma_start3A_197 = tpu.memref_slice %arg20[%dma_start3A_195, %dma_start3A_196] : memref<64x128xf32, #tpu.memory_space<vmem>> -> memref<64x128xf32, #tpu.memory_space<vmem>>
      %dma_start3A_198 = arith.constant 0 : i32
      %dma_start3A_199 = tpu.memref_slice %arg19[%add3A_194, %dma_start3A_198] : memref<10x64xi32, #tpu.memory_space<vmem>> -> memref<1x64xi32, #tpu.memory_space<vmem>>
      %dma_start3A_200 = tpu.memref_squeeze %dma_start3A_199 : memref<1x64xi32, #tpu.memory_space<vmem>> -> memref<64xi32, #tpu.memory_space<vmem>>
      %dma_start3A_201 = arith.constant 0 : i32
      %dma_start3A_202 = arith.constant 0 : i32
      %dma_start3A_203 = tpu.memref_slice %arg10[%dma_start3A_201, %dma_start3A_202] : memref<10240x128xf32, #tpu.memory_space<vmem_shared>> -> memref<10240x128xf32, #tpu.memory_space<vmem_shared>>
      tpu.enqueue_indirect_dma source(%dma_start3A_197 : memref<64x128xf32, #tpu.memory_space<vmem>>) target(%dma_start3A_203 : memref<10240x128xf32, #tpu.memory_space<vmem_shared>>) offsets(%dma_start3A_200 : memref<64xi32, #tpu.memory_space<vmem>>) semaphore(%arg25 : memref<!tpu.dma_semaphore, #tpu.memory_space<semaphore_mem>>)
    }
    %scan3A_5 = arith.constant 10 : i32
    %mul3A_6 = arith.constant 156 : i32
    %mul3A_7 = arith.muli %add3A, %mul3A_6 : i32
    %add3A_8 = arith.constant 78 : i32
    %add3A_9 = arith.addi %mul3A_7, %add3A_8 : i32
    %mul3A_10 = arith.constant 64 : i32
    %mul3A_11 = arith.muli %mul3A_7, %mul3A_10 : i32
    %dma_start3A = arith.constant 0 : i32
    %dma_start3A_12 = arith.constant 0 : i32
    %dma_start3A_13 = tpu.memref_slice %arg11[%dma_start3A, %dma_start3A_12] : memref<1x64xi32, #tpu.memory_space<vmem>> -> memref<1x64xi32, #tpu.memory_space<vmem>>
    %dma_start3A_14 = tpu.memref_squeeze %dma_start3A_13 : memref<1x64xi32, #tpu.memory_space<vmem>> -> memref<64xi32, #tpu.memory_space<vmem>>
    %dma_start3A_15 = tpu.memref_slice %arg3[%mul3A_11] : memref<320000xi32, #tpu.memory_space<hbm>> -> memref<64xi32, #tpu.memory_space<hbm>>
    %dma_start3A_16 = arith.constant 0 : i32
    %dma_start3A_17 = tpu.memref_slice %arg11[%dma_start3A, %dma_start3A_16] : memref<1x64xi32, #tpu.memory_space<vmem>> -> memref<1x64xi32, #tpu.memory_space<vmem>>
    %dma_start3A_18 = tpu.memref_squeeze %dma_start3A_17 : memref<1x64xi32, #tpu.memory_space<vmem>> -> memref<64xi32, #tpu.memory_space<vmem>>
    %dma_start3A_19 = tpu.memref_slice %arg3[%mul3A_11] : memref<320000xi32, #tpu.memory_space<hbm>> -> memref<64xi32, #tpu.memory_space<hbm>>
    tpu.enqueue_dma source(%dma_start3A_19 : memref<64xi32, #tpu.memory_space<hbm>>) target(%dma_start3A_18 : memref<64xi32, #tpu.memory_space<vmem>>) target_semaphore(%arg26 : memref<!tpu.dma_semaphore, #tpu.memory_space<semaphore_mem>>)
    %dma_start3A_20 = arith.constant 0 : i32
    %dma_start3A_21 = arith.constant 0 : i32
    %dma_start3A_22 = tpu.memref_slice %arg12[%dma_start3A_20, %dma_start3A_21] : memref<1x64xi32, #tpu.memory_space<vmem>> -> memref<1x64xi32, #tpu.memory_space<vmem>>
    %dma_start3A_23 = tpu.memref_squeeze %dma_start3A_22 : memref<1x64xi32, #tpu.memory_space<vmem>> -> memref<64xi32, #tpu.memory_space<vmem>>
    %dma_start3A_24 = tpu.memref_slice %arg4[%mul3A_11] : memref<320000xi32, #tpu.memory_space<hbm>> -> memref<64xi32, #tpu.memory_space<hbm>>
    %dma_start3A_25 = arith.constant 0 : i32
    %dma_start3A_26 = tpu.memref_slice %arg12[%dma_start3A_20, %dma_start3A_25] : memref<1x64xi32, #tpu.memory_space<vmem>> -> memref<1x64xi32, #tpu.memory_space<vmem>>
    %dma_start3A_27 = tpu.memref_squeeze %dma_start3A_26 : memref<1x64xi32, #tpu.memory_space<vmem>> -> memref<64xi32, #tpu.memory_space<vmem>>
    %dma_start3A_28 = tpu.memref_slice %arg4[%mul3A_11] : memref<320000xi32, #tpu.memory_space<hbm>> -> memref<64xi32, #tpu.memory_space<hbm>>
    tpu.enqueue_dma source(%dma_start3A_28 : memref<64xi32, #tpu.memory_space<hbm>>) target(%dma_start3A_27 : memref<64xi32, #tpu.memory_space<vmem>>) target_semaphore(%arg26 : memref<!tpu.dma_semaphore, #tpu.memory_space<semaphore_mem>>)
    %mul3A_29 = arith.constant 64 : i32
    %mul3A_30 = arith.muli %add3A_9, %mul3A_29 : i32
    %dma_start3A_31 = arith.constant 0 : i32
    %dma_start3A_32 = arith.constant 0 : i32
    %dma_start3A_33 = tpu.memref_slice %arg15[%dma_start3A_31, %dma_start3A_32] : memref<1x64xi32, #tpu.memory_space<vmem>> -> memref<1x64xi32, #tpu.memory_space<vmem>>
    %dma_start3A_34 = tpu.memref_squeeze %dma_start3A_33 : memref<1x64xi32, #tpu.memory_space<vmem>> -> memref<64xi32, #tpu.memory_space<vmem>>
    %dma_start3A_35 = tpu.memref_slice %arg3[%mul3A_30] : memref<320000xi32, #tpu.memory_space<hbm>> -> memref<64xi32, #tpu.memory_space<hbm>>
    %dma_start3A_36 = arith.constant 0 : i32
    %dma_start3A_37 = tpu.memref_slice %arg15[%dma_start3A_31, %dma_start3A_36] : memref<1x64xi32, #tpu.memory_space<vmem>> -> memref<1x64xi32, #tpu.memory_space<vmem>>
    %dma_start3A_38 = tpu.memref_squeeze %dma_start3A_37 : memref<1x64xi32, #tpu.memory_space<vmem>> -> memref<64xi32, #tpu.memory_space<vmem>>
    %dma_start3A_39 = tpu.memref_slice %arg3[%mul3A_30] : memref<320000xi32, #tpu.memory_space<hbm>> -> memref<64xi32, #tpu.memory_space<hbm>>
    tpu.enqueue_dma source(%dma_start3A_39 : memref<64xi32, #tpu.memory_space<hbm>>) target(%dma_start3A_38 : memref<64xi32, #tpu.memory_space<vmem>>) target_semaphore(%arg28 : memref<!tpu.dma_semaphore, #tpu.memory_space<semaphore_mem>>)
    %dma_start3A_40 = arith.constant 0 : i32
    %dma_start3A_41 = arith.constant 0 : i32
    %dma_start3A_42 = tpu.memref_slice %arg16[%dma_start3A_40, %dma_start3A_41] : memref<1x64xi32, #tpu.memory_space<vmem>> -> memref<1x64xi32, #tpu.memory_space<vmem>>
    %dma_start3A_43 = tpu.memref_squeeze %dma_start3A_42 : memref<1x64xi32, #tpu.memory_space<vmem>> -> memref<64xi32, #tpu.memory_space<vmem>>
    %dma_start3A_44 = tpu.memref_slice %arg4[%mul3A_30] : memref<320000xi32, #tpu.memory_space<hbm>> -> memref<64xi32, #tpu.memory_space<hbm>>
    %dma_start3A_45 = arith.constant 0 : i32
    %dma_start3A_46 = tpu.memref_slice %arg16[%dma_start3A_40, %dma_start3A_45] : memref<1x64xi32, #tpu.memory_space<vmem>> -> memref<1x64xi32, #tpu.memory_space<vmem>>
    %dma_start3A_47 = tpu.memref_squeeze %dma_start3A_46 : memref<1x64xi32, #tpu.memory_space<vmem>> -> memref<64xi32, #tpu.memory_space<vmem>>
    %dma_start3A_48 = tpu.memref_slice %arg4[%mul3A_30] : memref<320000xi32, #tpu.memory_space<hbm>> -> memref<64xi32, #tpu.memory_space<hbm>>
    tpu.enqueue_dma source(%dma_start3A_48 : memref<64xi32, #tpu.memory_space<hbm>>) target(%dma_start3A_47 : memref<64xi32, #tpu.memory_space<vmem>>) target_semaphore(%arg28 : memref<!tpu.dma_semaphore, #tpu.memory_space<semaphore_mem>>)
    %add3A_49 = arith.constant 1 : i32
    %add3A_50 = arith.addi %mul3A_7, %add3A_49 : i32
    %mul3A_51 = arith.constant 64 : i32
    %mul3A_52 = arith.muli %add3A_50, %mul3A_51 : i32
    %dma_start3A_53 = arith.constant 0 : i32
    %dma_start3A_54 = arith.constant 0 : i32
    %dma_start3A_55 = tpu.memref_slice %arg13[%dma_start3A_53, %dma_start3A_54] : memref<1x64xi32, #tpu.memory_space<vmem>> -> memref<1x64xi32, #tpu.memory_space<vmem>>
    %dma_start3A_56 = tpu.memref_squeeze %dma_start3A_55 : memref<1x64xi32, #tpu.memory_space<vmem>> -> memref<64xi32, #tpu.memory_space<vmem>>
    %dma_start3A_57 = tpu.memref_slice %arg3[%mul3A_52] : memref<320000xi32, #tpu.memory_space<hbm>> -> memref<64xi32, #tpu.memory_space<hbm>>
    %dma_start3A_58 = arith.constant 0 : i32
    %dma_start3A_59 = tpu.memref_slice %arg13[%dma_start3A_53, %dma_start3A_58] : memref<1x64xi32, #tpu.memory_space<vmem>> -> memref<1x64xi32, #tpu.memory_space<vmem>>
    %dma_start3A_60 = tpu.memref_squeeze %dma_start3A_59 : memref<1x64xi32, #tpu.memory_space<vmem>> -> memref<64xi32, #tpu.memory_space<vmem>>
    %dma_start3A_61 = tpu.memref_slice %arg3[%mul3A_52] : memref<320000xi32, #tpu.memory_space<hbm>> -> memref<64xi32, #tpu.memory_space<hbm>>
    tpu.enqueue_dma source(%dma_start3A_61 : memref<64xi32, #tpu.memory_space<hbm>>) target(%dma_start3A_60 : memref<64xi32, #tpu.memory_space<vmem>>) target_semaphore(%arg27 : memref<!tpu.dma_semaphore, #tpu.memory_space<semaphore_mem>>)
    %dma_start3A_62 = arith.constant 0 : i32
    %dma_start3A_63 = arith.constant 0 : i32
    %dma_start3A_64 = tpu.memref_slice %arg14[%dma_start3A_62, %dma_start3A_63] : memref<1x64xi32, #tpu.memory_space<vmem>> -> memref<1x64xi32, #tpu.memory_space<vmem>>
    %dma_start3A_65 = tpu.memref_squeeze %dma_start3A_64 : memref<1x64xi32, #tpu.memory_space<vmem>> -> memref<64xi32, #tpu.memory_space<vmem>>
    %dma_start3A_66 = tpu.memref_slice %arg4[%mul3A_52] : memref<320000xi32, #tpu.memory_space<hbm>> -> memref<64xi32, #tpu.memory_space<hbm>>
    %dma_start3A_67 = arith.constant 0 : i32
    %dma_start3A_68 = tpu.memref_slice %arg14[%dma_start3A_62, %dma_start3A_67] : memref<1x64xi32, #tpu.memory_space<vmem>> -> memref<1x64xi32, #tpu.memory_space<vmem>>
    %dma_start3A_69 = tpu.memref_squeeze %dma_start3A_68 : memref<1x64xi32, #tpu.memory_space<vmem>> -> memref<64xi32, #tpu.memory_space<vmem>>
    %dma_start3A_70 = tpu.memref_slice %arg4[%mul3A_52] : memref<320000xi32, #tpu.memory_space<hbm>> -> memref<64xi32, #tpu.memory_space<hbm>>
    tpu.enqueue_dma source(%dma_start3A_70 : memref<64xi32, #tpu.memory_space<hbm>>) target(%dma_start3A_69 : memref<64xi32, #tpu.memory_space<vmem>>) target_semaphore(%arg27 : memref<!tpu.dma_semaphore, #tpu.memory_space<semaphore_mem>>)
    %add3A_71 = arith.constant 1 : i32
    %add3A_72 = arith.addi %add3A_9, %add3A_71 : i32
    %mul3A_73 = arith.constant 64 : i32
    %mul3A_74 = arith.muli %add3A_72, %mul3A_73 : i32
    %dma_start3A_75 = arith.constant 0 : i32
    %dma_start3A_76 = arith.constant 0 : i32
    %dma_start3A_77 = tpu.memref_slice %arg17[%dma_start3A_75, %dma_start3A_76] : memref<1x64xi32, #tpu.memory_space<vmem>> -> memref<1x64xi32, #tpu.memory_space<vmem>>
    %dma_start3A_78 = tpu.memref_squeeze %dma_start3A_77 : memref<1x64xi32, #tpu.memory_space<vmem>> -> memref<64xi32, #tpu.memory_space<vmem>>
    %dma_start3A_79 = tpu.memref_slice %arg3[%mul3A_74] : memref<320000xi32, #tpu.memory_space<hbm>> -> memref<64xi32, #tpu.memory_space<hbm>>
    %dma_start3A_80 = arith.constant 0 : i32
    %dma_start3A_81 = tpu.memref_slice %arg17[%dma_start3A_75, %dma_start3A_80] : memref<1x64xi32, #tpu.memory_space<vmem>> -> memref<1x64xi32, #tpu.memory_space<vmem>>
    %dma_start3A_82 = tpu.memref_squeeze %dma_start3A_81 : memref<1x64xi32, #tpu.memory_space<vmem>> -> memref<64xi32, #tpu.memory_space<vmem>>
    %dma_start3A_83 = tpu.memref_slice %arg3[%mul3A_74] : memref<320000xi32, #tpu.memory_space<hbm>> -> memref<64xi32, #tpu.memory_space<hbm>>
    tpu.enqueue_dma source(%dma_start3A_83 : memref<64xi32, #tpu.memory_space<hbm>>) target(%dma_start3A_82 : memref<64xi32, #tpu.memory_space<vmem>>) target_semaphore(%arg29 : memref<!tpu.dma_semaphore, #tpu.memory_space<semaphore_mem>>)
    %dma_start3A_84 = arith.constant 0 : i32
    %dma_start3A_85 = arith.constant 0 : i32
    %dma_start3A_86 = tpu.memref_slice %arg18[%dma_start3A_84, %dma_start3A_85] : memref<1x64xi32, #tpu.memory_space<vmem>> -> memref<1x64xi32, #tpu.memory_space<vmem>>
    %dma_start3A_87 = tpu.memref_squeeze %dma_start3A_86 : memref<1x64xi32, #tpu.memory_space<vmem>> -> memref<64xi32, #tpu.memory_space<vmem>>
    %dma_start3A_88 = tpu.memref_slice %arg4[%mul3A_74] : memref<320000xi32, #tpu.memory_space<hbm>> -> memref<64xi32, #tpu.memory_space<hbm>>
    %dma_start3A_89 = arith.constant 0 : i32
    %dma_start3A_90 = tpu.memref_slice %arg18[%dma_start3A_84, %dma_start3A_89] : memref<1x64xi32, #tpu.memory_space<vmem>> -> memref<1x64xi32, #tpu.memory_space<vmem>>
    %dma_start3A_91 = tpu.memref_squeeze %dma_start3A_90 : memref<1x64xi32, #tpu.memory_space<vmem>> -> memref<64xi32, #tpu.memory_space<vmem>>
    %dma_start3A_92 = tpu.memref_slice %arg4[%mul3A_74] : memref<320000xi32, #tpu.memory_space<hbm>> -> memref<64xi32, #tpu.memory_space<hbm>>
    tpu.enqueue_dma source(%dma_start3A_92 : memref<64xi32, #tpu.memory_space<hbm>>) target(%dma_start3A_91 : memref<64xi32, #tpu.memory_space<vmem>>) target_semaphore(%arg29 : memref<!tpu.dma_semaphore, #tpu.memory_space<semaphore_mem>>)
    %scan3A_93 = arith.constant 0 : i32
    %scan3A_94 = arith.constant 10 : i32
    %scan3A_95 = arith.addi %scan3A_93, %scan3A_94 : i32
    %scan3A_96 = arith.constant 1 : i32
    scf.for %scan3A_190 = %scan3A_93 to %scan3A_95 step %scan3A_96  : i32 {
      %mul3A_191 = arith.constant 1 : i32
      %mul3A_192 = arith.muli %scan3A_190, %mul3A_191 : i32
      %add3A_193 = arith.constant 0 : i32
      %add3A_194 = arith.addi %add3A_193, %mul3A_192 : i32
      %dma_wait3A_195 = arith.constant 0 : i32
      %dma_wait3A_196 = arith.constant 0 : i32
      %dma_wait3A_197 = arith.constant 0 : i32
      %dma_wait3A_198 = tpu.memref_slice %arg20[%dma_wait3A_196, %dma_wait3A_197] : memref<64x128xf32, #tpu.memory_space<vmem>> -> memref<64x128xf32, #tpu.memory_space<vmem>>
      %dma_wait3A_199 = arith.constant 0 : i32
      %dma_wait3A_200 = tpu.memref_slice %arg19[%dma_wait3A_195, %dma_wait3A_199] : memref<10x64xi32, #tpu.memory_space<vmem>> -> memref<1x64xi32, #tpu.memory_space<vmem>>
      %dma_wait3A_201 = tpu.memref_squeeze %dma_wait3A_200 : memref<1x64xi32, #tpu.memory_space<vmem>> -> memref<64xi32, #tpu.memory_space<vmem>>
      %dma_wait3A_202 = arith.constant 0 : i32
      %dma_wait3A_203 = arith.constant 0 : i32
      %dma_wait3A_204 = tpu.memref_slice %arg10[%dma_wait3A_202, %dma_wait3A_203] : memref<10240x128xf32, #tpu.memory_space<vmem_shared>> -> memref<10240x128xf32, #tpu.memory_space<vmem_shared>>
      tpu.wait_indirect_dma semaphore(%arg25 : memref<!tpu.dma_semaphore, #tpu.memory_space<semaphore_mem>>) src(%dma_wait3A_198 : memref<64x128xf32, #tpu.memory_space<vmem>>) dst(%dma_wait3A_204 : memref<10240x128xf32, #tpu.memory_space<vmem_shared>>)
    }
    %scan3A_97 = arith.constant 10 : i32
    %barrier3A = arith.constant 0 : index
    tpu.barrier barrier_id(%barrier3A)
    %dma_wait3A = arith.constant 0 : i32
    %dma_wait3A_98 = arith.constant 0 : i32
    %dma_wait3A_99 = tpu.memref_slice %arg11[%dma_wait3A, %dma_wait3A_98] : memref<1x64xi32, #tpu.memory_space<vmem>> -> memref<1x64xi32, #tpu.memory_space<vmem>>
    %dma_wait3A_100 = tpu.memref_squeeze %dma_wait3A_99 : memref<1x64xi32, #tpu.memory_space<vmem>> -> memref<64xi32, #tpu.memory_space<vmem>>
    %dma_wait3A_101 = arith.constant 0 : i32
    %dma_wait3A_102 = tpu.memref_slice %arg3[%dma_wait3A_101] : memref<320000xi32, #tpu.memory_space<hbm>> -> memref<64xi32, #tpu.memory_space<hbm>>
    %dma_wait3A_103 = arith.constant 0 : i32
    %dma_wait3A_104 = tpu.memref_slice %arg11[%dma_wait3A, %dma_wait3A_103] : memref<1x64xi32, #tpu.memory_space<vmem>> -> memref<1x64xi32, #tpu.memory_space<vmem>>
    %dma_wait3A_105 = tpu.memref_squeeze %dma_wait3A_104 : memref<1x64xi32, #tpu.memory_space<vmem>> -> memref<64xi32, #tpu.memory_space<vmem>>
    %dma_wait3A_106 = arith.constant 0 : i32
    %dma_wait3A_107 = tpu.memref_slice %arg3[%dma_wait3A_106] : memref<320000xi32, #tpu.memory_space<hbm>> -> memref<64xi32, #tpu.memory_space<hbm>>
    tpu.wait_dma2 semaphore(%arg26 : memref<!tpu.dma_semaphore, #tpu.memory_space<semaphore_mem>>) src(%dma_wait3A_107 : memref<64xi32, #tpu.memory_space<hbm>>) dst(%dma_wait3A_105 : memref<64xi32, #tpu.memory_space<vmem>>)
    %dma_wait3A_108 = arith.constant 0 : i32
    %dma_wait3A_109 = arith.constant 0 : i32
    %dma_wait3A_110 = tpu.memref_slice %arg12[%dma_wait3A_108, %dma_wait3A_109] : memref<1x64xi32, #tpu.memory_space<vmem>> -> memref<1x64xi32, #tpu.memory_space<vmem>>
    %dma_wait3A_111 = tpu.memref_squeeze %dma_wait3A_110 : memref<1x64xi32, #tpu.memory_space<vmem>> -> memref<64xi32, #tpu.memory_space<vmem>>
    %dma_wait3A_112 = arith.constant 0 : i32
    %dma_wait3A_113 = tpu.memref_slice %arg4[%dma_wait3A_112] : memref<320000xi32, #tpu.memory_space<hbm>> -> memref<64xi32, #tpu.memory_space<hbm>>
    %dma_wait3A_114 = arith.constant 0 : i32
    %dma_wait3A_115 = tpu.memref_slice %arg12[%dma_wait3A_108, %dma_wait3A_114] : memref<1x64xi32, #tpu.memory_space<vmem>> -> memref<1x64xi32, #tpu.memory_space<vmem>>
    %dma_wait3A_116 = tpu.memref_squeeze %dma_wait3A_115 : memref<1x64xi32, #tpu.memory_space<vmem>> -> memref<64xi32, #tpu.memory_space<vmem>>
    %dma_wait3A_117 = arith.constant 0 : i32
    %dma_wait3A_118 = tpu.memref_slice %arg4[%dma_wait3A_117] : memref<320000xi32, #tpu.memory_space<hbm>> -> memref<64xi32, #tpu.memory_space<hbm>>
    tpu.wait_dma2 semaphore(%arg26 : memref<!tpu.dma_semaphore, #tpu.memory_space<semaphore_mem>>) src(%dma_wait3A_118 : memref<64xi32, #tpu.memory_space<hbm>>) dst(%dma_wait3A_116 : memref<64xi32, #tpu.memory_space<vmem>>)
    %dma_start3A_119 = arith.constant 0 : i32
    %dma_start3A_120 = arith.constant 0 : i32
    %dma_start3A_121 = tpu.memref_slice %arg12[%dma_start3A_119, %dma_start3A_120] : memref<1x64xi32, #tpu.memory_space<vmem>> -> memref<1x64xi32, #tpu.memory_space<vmem>>
    %dma_start3A_122 = tpu.memref_squeeze %dma_start3A_121 : memref<1x64xi32, #tpu.memory_space<vmem>> -> memref<64xi32, #tpu.memory_space<vmem>>
    %dma_start3A_123 = arith.constant 0 : i32
    %dma_start3A_124 = arith.constant 0 : i32
    %dma_start3A_125 = tpu.memref_slice %arg2[%dma_start3A_123, %dma_start3A_124] : memref<10000x128xf32, #tpu.memory_space<hbm>> -> memref<10000x128xf32, #tpu.memory_space<hbm>>
    tpu.enqueue_indirect_dma source(%dma_start3A_125 : memref<10000x128xf32, #tpu.memory_space<hbm>>) target(%arg20 : memref<64x128xf32, #tpu.memory_space<vmem>>) offsets(%dma_start3A_122 : memref<64xi32, #tpu.memory_space<vmem>>) semaphore(%arg30 : memref<!tpu.dma_semaphore, #tpu.memory_space<semaphore_mem>>)
    %dma_wait3A_126 = arith.constant 0 : i32
    %dma_wait3A_127 = arith.constant 0 : i32
    %dma_wait3A_128 = tpu.memref_slice %arg15[%dma_wait3A_126, %dma_wait3A_127] : memref<1x64xi32, #tpu.memory_space<vmem>> -> memref<1x64xi32, #tpu.memory_space<vmem>>
    %dma_wait3A_129 = tpu.memref_squeeze %dma_wait3A_128 : memref<1x64xi32, #tpu.memory_space<vmem>> -> memref<64xi32, #tpu.memory_space<vmem>>
    %dma_wait3A_130 = arith.constant 0 : i32
    %dma_wait3A_131 = tpu.memref_slice %arg3[%dma_wait3A_130] : memref<320000xi32, #tpu.memory_space<hbm>> -> memref<64xi32, #tpu.memory_space<hbm>>
    %dma_wait3A_132 = arith.constant 0 : i32
    %dma_wait3A_133 = tpu.memref_slice %arg15[%dma_wait3A_126, %dma_wait3A_132] : memref<1x64xi32, #tpu.memory_space<vmem>> -> memref<1x64xi32, #tpu.memory_space<vmem>>
    %dma_wait3A_134 = tpu.memref_squeeze %dma_wait3A_133 : memref<1x64xi32, #tpu.memory_space<vmem>> -> memref<64xi32, #tpu.memory_space<vmem>>
    %dma_wait3A_135 = arith.constant 0 : i32
    %dma_wait3A_136 = tpu.memref_slice %arg3[%dma_wait3A_135] : memref<320000xi32, #tpu.memory_space<hbm>> -> memref<64xi32, #tpu.memory_space<hbm>>
    tpu.wait_dma2 semaphore(%arg28 : memref<!tpu.dma_semaphore, #tpu.memory_space<semaphore_mem>>) src(%dma_wait3A_136 : memref<64xi32, #tpu.memory_space<hbm>>) dst(%dma_wait3A_134 : memref<64xi32, #tpu.memory_space<vmem>>)
    %dma_wait3A_137 = arith.constant 0 : i32
    %dma_wait3A_138 = arith.constant 0 : i32
    %dma_wait3A_139 = tpu.memref_slice %arg16[%dma_wait3A_137, %dma_wait3A_138] : memref<1x64xi32, #tpu.memory_space<vmem>> -> memref<1x64xi32, #tpu.memory_space<vmem>>
    %dma_wait3A_140 = tpu.memref_squeeze %dma_wait3A_139 : memref<1x64xi32, #tpu.memory_space<vmem>> -> memref<64xi32, #tpu.memory_space<vmem>>
    %dma_wait3A_141 = arith.constant 0 : i32
    %dma_wait3A_142 = tpu.memref_slice %arg4[%dma_wait3A_141] : memref<320000xi32, #tpu.memory_space<hbm>> -> memref<64xi32, #tpu.memory_space<hbm>>
    %dma_wait3A_143 = arith.constant 0 : i32
    %dma_wait3A_144 = tpu.memref_slice %arg16[%dma_wait3A_137, %dma_wait3A_143] : memref<1x64xi32, #tpu.memory_space<vmem>> -> memref<1x64xi32, #tpu.memory_space<vmem>>
    %dma_wait3A_145 = tpu.memref_squeeze %dma_wait3A_144 : memref<1x64xi32, #tpu.memory_space<vmem>> -> memref<64xi32, #tpu.memory_space<vmem>>
    %dma_wait3A_146 = arith.constant 0 : i32
    %dma_wait3A_147 = tpu.memref_slice %arg4[%dma_wait3A_146] : memref<320000xi32, #tpu.memory_space<hbm>> -> memref<64xi32, #tpu.memory_space<hbm>>
    tpu.wait_dma2 semaphore(%arg28 : memref<!tpu.dma_semaphore, #tpu.memory_space<semaphore_mem>>) src(%dma_wait3A_147 : memref<64xi32, #tpu.memory_space<hbm>>) dst(%dma_wait3A_145 : memref<64xi32, #tpu.memory_space<vmem>>)
    %dma_start3A_148 = arith.constant 0 : i32
    %dma_start3A_149 = arith.constant 0 : i32
    %dma_start3A_150 = tpu.memref_slice %arg16[%dma_start3A_148, %dma_start3A_149] : memref<1x64xi32, #tpu.memory_space<vmem>> -> memref<1x64xi32, #tpu.memory_space<vmem>>
    %dma_start3A_151 = tpu.memref_squeeze %dma_start3A_150 : memref<1x64xi32, #tpu.memory_space<vmem>> -> memref<64xi32, #tpu.memory_space<vmem>>
    %dma_start3A_152 = arith.constant 0 : i32
    %dma_start3A_153 = arith.constant 0 : i32
    %dma_start3A_154 = tpu.memref_slice %arg2[%dma_start3A_152, %dma_start3A_153] : memref<10000x128xf32, #tpu.memory_space<hbm>> -> memref<10000x128xf32, #tpu.memory_space<hbm>>
    tpu.enqueue_indirect_dma source(%dma_start3A_154 : memref<10000x128xf32, #tpu.memory_space<hbm>>) target(%arg22 : memref<64x128xf32, #tpu.memory_space<vmem>>) offsets(%dma_start3A_151 : memref<64xi32, #tpu.memory_space<vmem>>) semaphore(%arg32 : memref<!tpu.dma_semaphore, #tpu.memory_space<semaphore_mem>>)
    %scan3A_155 = arith.constant 0 : i32
    %scan3A_156 = arith.constant 39 : i32
    %scan3A_157 = arith.addi %scan3A_155, %scan3A_156 : i32
    %scan3A_158 = arith.constant 1 : i32
    scf.for %scan3A_190 = %scan3A_155 to %scan3A_157 step %scan3A_158  : i32 {
      %mul3A_191 = arith.constant 1 : i32
      %mul3A_192 = arith.muli %scan3A_190, %mul3A_191 : i32
      %add3A_193 = arith.constant 0 : i32
      %add3A_194 = arith.addi %add3A_193, %mul3A_192 : i32
      %mul3A_195 = arith.constant 2 : i32
      %mul3A_196 = arith.muli %mul3A_195, %add3A_194 : i32
      %dma_wait3A_197 = arith.constant 0 : i32
      %dma_wait3A_198 = arith.constant 0 : i32
      %dma_wait3A_199 = tpu.memref_slice %arg12[%dma_wait3A_197, %dma_wait3A_198] : memref<1x64xi32, #tpu.memory_space<vmem>> -> memref<1x64xi32, #tpu.memory_space<vmem>>
      %dma_wait3A_200 = tpu.memref_squeeze %dma_wait3A_199 : memref<1x64xi32, #tpu.memory_space<vmem>> -> memref<64xi32, #tpu.memory_space<vmem>>
      %dma_wait3A_201 = arith.constant 0 : i32
      %dma_wait3A_202 = arith.constant 0 : i32
      %dma_wait3A_203 = tpu.memref_slice %arg2[%dma_wait3A_201, %dma_wait3A_202] : memref<10000x128xf32, #tpu.memory_space<hbm>> -> memref<10000x128xf32, #tpu.memory_space<hbm>>
      tpu.wait_indirect_dma semaphore(%arg30 : memref<!tpu.dma_semaphore, #tpu.memory_space<semaphore_mem>>) src(%dma_wait3A_203 : memref<10000x128xf32, #tpu.memory_space<hbm>>) dst(%arg20 : memref<64x128xf32, #tpu.memory_space<vmem>>)
      %dma_start3A_204 = arith.constant 0 : i32
      %dma_start3A_205 = arith.constant 0 : i32
      %dma_start3A_206 = tpu.memref_slice %arg11[%dma_start3A_204, %dma_start3A_205] : memref<1x64xi32, #tpu.memory_space<vmem>> -> memref<1x64xi32, #tpu.memory_space<vmem>>
      %dma_start3A_207 = tpu.memref_squeeze %dma_start3A_206 : memref<1x64xi32, #tpu.memory_space<vmem>> -> memref<64xi32, #tpu.memory_space<vmem>>
      %dma_start3A_208 = arith.constant 0 : i32
      %dma_start3A_209 = arith.constant 0 : i32
      %dma_start3A_210 = tpu.memref_slice %arg10[%dma_start3A_208, %dma_start3A_209] : memref<10240x128xf32, #tpu.memory_space<vmem_shared>> -> memref<10240x128xf32, #tpu.memory_space<vmem_shared>>
      tpu.enqueue_indirect_dma source(%arg20 : memref<64x128xf32, #tpu.memory_space<vmem>>) target(%dma_start3A_210 : memref<10240x128xf32, #tpu.memory_space<vmem_shared>>) offsets(%dma_start3A_207 : memref<64xi32, #tpu.memory_space<vmem>>) semaphore(%arg34 : memref<!tpu.dma_semaphore, #tpu.memory_space<semaphore_mem>>) {add = true}
      %dma_wait3A_211 = arith.constant 0 : i32
      %dma_wait3A_212 = arith.constant 0 : i32
      %dma_wait3A_213 = tpu.memref_slice %arg16[%dma_wait3A_211, %dma_wait3A_212] : memref<1x64xi32, #tpu.memory_space<vmem>> -> memref<1x64xi32, #tpu.memory_space<vmem>>
      %dma_wait3A_214 = tpu.memref_squeeze %dma_wait3A_213 : memref<1x64xi32, #tpu.memory_space<vmem>> -> memref<64xi32, #tpu.memory_space<vmem>>
      %dma_wait3A_215 = arith.constant 0 : i32
      %dma_wait3A_216 = arith.constant 0 : i32
      %dma_wait3A_217 = tpu.memref_slice %arg2[%dma_wait3A_215, %dma_wait3A_216] : memref<10000x128xf32, #tpu.memory_space<hbm>> -> memref<10000x128xf32, #tpu.memory_space<hbm>>
      tpu.wait_indirect_dma semaphore(%arg32 : memref<!tpu.dma_semaphore, #tpu.memory_space<semaphore_mem>>) src(%dma_wait3A_217 : memref<10000x128xf32, #tpu.memory_space<hbm>>) dst(%arg22 : memref<64x128xf32, #tpu.memory_space<vmem>>)
      %dma_start3A_218 = arith.constant 0 : i32
      %dma_start3A_219 = arith.constant 0 : i32
      %dma_start3A_220 = tpu.memref_slice %arg15[%dma_start3A_218, %dma_start3A_219] : memref<1x64xi32, #tpu.memory_space<vmem>> -> memref<1x64xi32, #tpu.memory_space<vmem>>
      %dma_start3A_221 = tpu.memref_squeeze %dma_start3A_220 : memref<1x64xi32, #tpu.memory_space<vmem>> -> memref<64xi32, #tpu.memory_space<vmem>>
      %dma_start3A_222 = arith.constant 0 : i32
      %dma_start3A_223 = arith.constant 0 : i32
      %dma_start3A_224 = tpu.memref_slice %arg10[%dma_start3A_222, %dma_start3A_223] : memref<10240x128xf32, #tpu.memory_space<vmem_shared>> -> memref<10240x128xf32, #tpu.memory_space<vmem_shared>>
      tpu.enqueue_indirect_dma source(%arg22 : memref<64x128xf32, #tpu.memory_space<vmem>>) target(%dma_start3A_224 : memref<10240x128xf32, #tpu.memory_space<vmem_shared>>) offsets(%dma_start3A_221 : memref<64xi32, #tpu.memory_space<vmem>>) semaphore(%arg36 : memref<!tpu.dma_semaphore, #tpu.memory_space<semaphore_mem>>) {add = true}
      %scan3A_225 = arith.constant 0 : i32
      %scan3A_226 = arith.constant 4 : i32
      %scan3A_227 = arith.addi %scan3A_225, %scan3A_226 : i32
      %scan3A_228 = arith.constant 1 : i32
      scf.for %scan3A_380 = %scan3A_225 to %scan3A_227 step %scan3A_228  : i32 {
        %mul3A_381 = arith.constant 1 : i32
        %mul3A_382 = arith.muli %scan3A_380, %mul3A_381 : i32
        %add3A_383 = arith.constant 0 : i32
        %add3A_384 = arith.addi %add3A_383, %mul3A_382 : i32
        %mul3A_385 = arith.constant 16 : i32
        %mul3A_386 = arith.muli %add3A_384, %mul3A_385 : i32
        %get3A = arith.constant 0 : i32
        %get3A_387 = arith.index_cast %get3A : i32 to index
        %get3A_388 = arith.index_cast %mul3A_386 : i32 to index
        %get3A_389 = tpu.vector_load %arg11[%get3A_387, %get3A_388] {strides = array<i32>} : memref<1x64xi32, #tpu.memory_space<vmem>>, vector<16xi32>,
        tpu.vector_store_idx %arg24[%get3A_389], %broadcast_in_dim3A_1 {add = true} : memref<10240xf32, #tpu.memory_space<vmem>>[vector<16xi32>], vector<16xf32>,
      }
      %scan3A_229 = arith.constant 4 : i32
      %scan3A_230 = arith.constant 0 : i32
      %scan3A_231 = arith.constant 4 : i32
      %scan3A_232 = arith.addi %scan3A_230, %scan3A_231 : i32
      %scan3A_233 = arith.constant 1 : i32
      scf.for %scan3A_380 = %scan3A_230 to %scan3A_232 step %scan3A_233  : i32 {
        %mul3A_381 = arith.constant 1 : i32
        %mul3A_382 = arith.muli %scan3A_380, %mul3A_381 : i32
        %add3A_383 = arith.constant 0 : i32
        %add3A_384 = arith.addi %add3A_383, %mul3A_382 : i32
        %mul3A_385 = arith.constant 16 : i32
        %mul3A_386 = arith.muli %add3A_384, %mul3A_385 : i32
        %get3A = arith.constant 0 : i32
        %get3A_387 = arith.index_cast %get3A : i32 to index
        %get3A_388 = arith.index_cast %mul3A_386 : i32 to index
        %get3A_389 = tpu.vector_load %arg15[%get3A_387, %get3A_388] {strides = array<i32>} : memref<1x64xi32, #tpu.memory_space<vmem>>, vector<16xi32>,
        tpu.vector_store_idx %arg24[%get3A_389], %broadcast_in_dim3A_1 {add = true} : memref<10240xf32, #tpu.memory_space<vmem>>[vector<16xi32>], vector<16xf32>,
      }
      %scan3A_234 = arith.constant 4 : i32
      %dma_wait3A_235 = arith.constant 0 : i32
      %dma_wait3A_236 = arith.constant 0 : i32
      %dma_wait3A_237 = tpu.memref_slice %arg13[%dma_wait3A_235, %dma_wait3A_236] : memref<1x64xi32, #tpu.memory_space<vmem>> -> memref<1x64xi32, #tpu.memory_space<vmem>>
      %dma_wait3A_238 = tpu.memref_squeeze %dma_wait3A_237 : memref<1x64xi32, #tpu.memory_space<vmem>> -> memref<64xi32, #tpu.memory_space<vmem>>
      %dma_wait3A_239 = arith.constant 0 : i32
      %dma_wait3A_240 = tpu.memref_slice %arg3[%dma_wait3A_239] : memref<320000xi32, #tpu.memory_space<hbm>> -> memref<64xi32, #tpu.memory_space<hbm>>
      %dma_wait3A_241 = arith.constant 0 : i32
      %dma_wait3A_242 = tpu.memref_slice %arg13[%dma_wait3A_235, %dma_wait3A_241] : memref<1x64xi32, #tpu.memory_space<vmem>> -> memref<1x64xi32, #tpu.memory_space<vmem>>
      %dma_wait3A_243 = tpu.memref_squeeze %dma_wait3A_242 : memref<1x64xi32, #tpu.memory_space<vmem>> -> memref<64xi32, #tpu.memory_space<vmem>>
      %dma_wait3A_244 = arith.constant 0 : i32
      %dma_wait3A_245 = tpu.memref_slice %arg3[%dma_wait3A_244] : memref<320000xi32, #tpu.memory_space<hbm>> -> memref<64xi32, #tpu.memory_space<hbm>>
      tpu.wait_dma2 semaphore(%arg27 : memref<!tpu.dma_semaphore, #tpu.memory_space<semaphore_mem>>) src(%dma_wait3A_245 : memref<64xi32, #tpu.memory_space<hbm>>) dst(%dma_wait3A_243 : memref<64xi32, #tpu.memory_space<vmem>>)
      %dma_wait3A_246 = arith.constant 0 : i32
      %dma_wait3A_247 = arith.constant 0 : i32
      %dma_wait3A_248 = tpu.memref_slice %arg14[%dma_wait3A_246, %dma_wait3A_247] : memref<1x64xi32, #tpu.memory_space<vmem>> -> memref<1x64xi32, #tpu.memory_space<vmem>>
      %dma_wait3A_249 = tpu.memref_squeeze %dma_wait3A_248 : memref<1x64xi32, #tpu.memory_space<vmem>> -> memref<64xi32, #tpu.memory_space<vmem>>
      %dma_wait3A_250 = arith.constant 0 : i32
      %dma_wait3A_251 = tpu.memref_slice %arg4[%dma_wait3A_250] : memref<320000xi32, #tpu.memory_space<hbm>> -> memref<64xi32, #tpu.memory_space<hbm>>
      %dma_wait3A_252 = arith.constant 0 : i32
      %dma_wait3A_253 = tpu.memref_slice %arg14[%dma_wait3A_246, %dma_wait3A_252] : memref<1x64xi32, #tpu.memory_space<vmem>> -> memref<1x64xi32, #tpu.memory_space<vmem>>
      %dma_wait3A_254 = tpu.memref_squeeze %dma_wait3A_253 : memref<1x64xi32, #tpu.memory_space<vmem>> -> memref<64xi32, #tpu.memory_space<vmem>>
      %dma_wait3A_255 = arith.constant 0 : i32
      %dma_wait3A_256 = tpu.memref_slice %arg4[%dma_wait3A_255] : memref<320000xi32, #tpu.memory_space<hbm>> -> memref<64xi32, #tpu.memory_space<hbm>>
      tpu.wait_dma2 semaphore(%arg27 : memref<!tpu.dma_semaphore, #tpu.memory_space<semaphore_mem>>) src(%dma_wait3A_256 : memref<64xi32, #tpu.memory_space<hbm>>) dst(%dma_wait3A_254 : memref<64xi32, #tpu.memory_space<vmem>>)
      %dma_start3A_257 = arith.constant 0 : i32
      %dma_start3A_258 = arith.constant 0 : i32
      %dma_start3A_259 = tpu.memref_slice %arg14[%dma_start3A_257, %dma_start3A_258] : memref<1x64xi32, #tpu.memory_space<vmem>> -> memref<1x64xi32, #tpu.memory_space<vmem>>
      %dma_start3A_260 = tpu.memref_squeeze %dma_start3A_259 : memref<1x64xi32, #tpu.memory_space<vmem>> -> memref<64xi32, #tpu.memory_space<vmem>>
      %dma_start3A_261 = arith.constant 0 : i32
      %dma_start3A_262 = arith.constant 0 : i32
      %dma_start3A_263 = tpu.memref_slice %arg2[%dma_start3A_261, %dma_start3A_262] : memref<10000x128xf32, #tpu.memory_space<hbm>> -> memref<10000x128xf32, #tpu.memory_space<hbm>>
      tpu.enqueue_indirect_dma source(%dma_start3A_263 : memref<10000x128xf32, #tpu.memory_space<hbm>>) target(%arg21 : memref<64x128xf32, #tpu.memory_space<vmem>>) offsets(%dma_start3A_260 : memref<64xi32, #tpu.memory_space<vmem>>) semaphore(%arg31 : memref<!tpu.dma_semaphore, #tpu.memory_space<semaphore_mem>>)
      %dma_wait3A_264 = arith.constant 0 : i32
      %dma_wait3A_265 = arith.constant 0 : i32
      %dma_wait3A_266 = tpu.memref_slice %arg17[%dma_wait3A_264, %dma_wait3A_265] : memref<1x64xi32, #tpu.memory_space<vmem>> -> memref<1x64xi32, #tpu.memory_space<vmem>>
      %dma_wait3A_267 = tpu.memref_squeeze %dma_wait3A_266 : memref<1x64xi32, #tpu.memory_space<vmem>> -> memref<64xi32, #tpu.memory_space<vmem>>
      %dma_wait3A_268 = arith.constant 0 : i32
      %dma_wait3A_269 = tpu.memref_slice %arg3[%dma_wait3A_268] : memref<320000xi32, #tpu.memory_space<hbm>> -> memref<64xi32, #tpu.memory_space<hbm>>
      %dma_wait3A_270 = arith.constant 0 : i32
      %dma_wait3A_271 = tpu.memref_slice %arg17[%dma_wait3A_264, %dma_wait3A_270] : memref<1x64xi32, #tpu.memory_space<vmem>> -> memref<1x64xi32, #tpu.memory_space<vmem>>
      %dma_wait3A_272 = tpu.memref_squeeze %dma_wait3A_271 : memref<1x64xi32, #tpu.memory_space<vmem>> -> memref<64xi32, #tpu.memory_space<vmem>>
      %dma_wait3A_273 = arith.constant 0 : i32
      %dma_wait3A_274 = tpu.memref_slice %arg3[%dma_wait3A_273] : memref<320000xi32, #tpu.memory_space<hbm>> -> memref<64xi32, #tpu.memory_space<hbm>>
      tpu.wait_dma2 semaphore(%arg29 : memref<!tpu.dma_semaphore, #tpu.memory_space<semaphore_mem>>) src(%dma_wait3A_274 : memref<64xi32, #tpu.memory_space<hbm>>) dst(%dma_wait3A_272 : memref<64xi32, #tpu.memory_space<vmem>>)
      %dma_wait3A_275 = arith.constant 0 : i32
      %dma_wait3A_276 = arith.constant 0 : i32
      %dma_wait3A_277 = tpu.memref_slice %arg18[%dma_wait3A_275, %dma_wait3A_276] : memref<1x64xi32, #tpu.memory_space<vmem>> -> memref<1x64xi32, #tpu.memory_space<vmem>>
      %dma_wait3A_278 = tpu.memref_squeeze %dma_wait3A_277 : memref<1x64xi32, #tpu.memory_space<vmem>> -> memref<64xi32, #tpu.memory_space<vmem>>
      %dma_wait3A_279 = arith.constant 0 : i32
      %dma_wait3A_280 = tpu.memref_slice %arg4[%dma_wait3A_279] : memref<320000xi32, #tpu.memory_space<hbm>> -> memref<64xi32, #tpu.memory_space<hbm>>
      %dma_wait3A_281 = arith.constant 0 : i32
      %dma_wait3A_282 = tpu.memref_slice %arg18[%dma_wait3A_275, %dma_wait3A_281] : memref<1x64xi32, #tpu.memory_space<vmem>> -> memref<1x64xi32, #tpu.memory_space<vmem>>
      %dma_wait3A_283 = tpu.memref_squeeze %dma_wait3A_282 : memref<1x64xi32, #tpu.memory_space<vmem>> -> memref<64xi32, #tpu.memory_space<vmem>>
      %dma_wait3A_284 = arith.constant 0 : i32
      %dma_wait3A_285 = tpu.memref_slice %arg4[%dma_wait3A_284] : memref<320000xi32, #tpu.memory_space<hbm>> -> memref<64xi32, #tpu.memory_space<hbm>>
      tpu.wait_dma2 semaphore(%arg29 : memref<!tpu.dma_semaphore, #tpu.memory_space<semaphore_mem>>) src(%dma_wait3A_285 : memref<64xi32, #tpu.memory_space<hbm>>) dst(%dma_wait3A_283 : memref<64xi32, #tpu.memory_space<vmem>>)
      %dma_start3A_286 = arith.constant 0 : i32
      %dma_start3A_287 = arith.constant 0 : i32
      %dma_start3A_288 = tpu.memref_slice %arg18[%dma_start3A_286, %dma_start3A_287] : memref<1x64xi32, #tpu.memory_space<vmem>> -> memref<1x64xi32, #tpu.memory_space<vmem>>
      %dma_start3A_289 = tpu.memref_squeeze %dma_start3A_288 : memref<1x64xi32, #tpu.memory_space<vmem>> -> memref<64xi32, #tpu.memory_space<vmem>>
      %dma_start3A_290 = arith.constant 0 : i32
      %dma_start3A_291 = arith.constant 0 : i32
      %dma_start3A_292 = tpu.memref_slice %arg2[%dma_start3A_290, %dma_start3A_291] : memref<10000x128xf32, #tpu.memory_space<hbm>> -> memref<10000x128xf32, #tpu.memory_space<hbm>>
      tpu.enqueue_indirect_dma source(%dma_start3A_292 : memref<10000x128xf32, #tpu.memory_space<hbm>>) target(%arg23 : memref<64x128xf32, #tpu.memory_space<vmem>>) offsets(%dma_start3A_289 : memref<64xi32, #tpu.memory_space<vmem>>) semaphore(%arg33 : memref<!tpu.dma_semaphore, #tpu.memory_space<semaphore_mem>>)
      %dma_wait3A_293 = arith.constant 0 : i32
      %dma_wait3A_294 = arith.constant 0 : i32
      %dma_wait3A_295 = tpu.memref_slice %arg11[%dma_wait3A_293, %dma_wait3A_294] : memref<1x64xi32, #tpu.memory_space<vmem>> -> memref<1x64xi32, #tpu.memory_space<vmem>>
      %dma_wait3A_296 = tpu.memref_squeeze %dma_wait3A_295 : memref<1x64xi32, #tpu.memory_space<vmem>> -> memref<64xi32, #tpu.memory_space<vmem>>
      %dma_wait3A_297 = arith.constant 0 : i32
      %dma_wait3A_298 = arith.constant 0 : i32
      %dma_wait3A_299 = tpu.memref_slice %arg10[%dma_wait3A_297, %dma_wait3A_298] : memref<10240x128xf32, #tpu.memory_space<vmem_shared>> -> memref<10240x128xf32, #tpu.memory_space<vmem_shared>>
      tpu.wait_indirect_dma semaphore(%arg34 : memref<!tpu.dma_semaphore, #tpu.memory_space<semaphore_mem>>) src(%arg20 : memref<64x128xf32, #tpu.memory_space<vmem>>) dst(%dma_wait3A_299 : memref<10240x128xf32, #tpu.memory_space<vmem_shared>>)
      %dma_wait3A_300 = arith.constant 0 : i32
      %dma_wait3A_301 = arith.constant 0 : i32
      %dma_wait3A_302 = tpu.memref_slice %arg15[%dma_wait3A_300, %dma_wait3A_301] : memref<1x64xi32, #tpu.memory_space<vmem>> -> memref<1x64xi32, #tpu.memory_space<vmem>>
      %dma_wait3A_303 = tpu.memref_squeeze %dma_wait3A_302 : memref<1x64xi32, #tpu.memory_space<vmem>> -> memref<64xi32, #tpu.memory_space<vmem>>
      %dma_wait3A_304 = arith.constant 0 : i32
      %dma_wait3A_305 = arith.constant 0 : i32
      %dma_wait3A_306 = tpu.memref_slice %arg10[%dma_wait3A_304, %dma_wait3A_305] : memref<10240x128xf32, #tpu.memory_space<vmem_shared>> -> memref<10240x128xf32, #tpu.memory_space<vmem_shared>>
      tpu.wait_indirect_dma semaphore(%arg36 : memref<!tpu.dma_semaphore, #tpu.memory_space<semaphore_mem>>) src(%arg22 : memref<64x128xf32, #tpu.memory_space<vmem>>) dst(%dma_wait3A_306 : memref<10240x128xf32, #tpu.memory_space<vmem_shared>>)
      %add3A_307 = arith.constant 2 : i32
      %add3A_308 = arith.addi %mul3A_196, %add3A_307 : i32
      %lt3A_309 = arith.constant 78 : i32
      %lt3A_310 = arith.cmpi slt, %add3A_308, %lt3A_309 : i32
      %convert_element_type3A_311 = arith.extui %lt3A_310 : i1 to i32
      %cond3A_312 = arith.constant 0 : i32
      %cond3A_313 = arith.cmpi ne, %convert_element_type3A_311, %cond3A_312 : i32
      scf.if %cond3A_313 {
        %add3A_380 = arith.addi %mul3A_7, %mul3A_196 : i32
        %add3A_381 = arith.constant 2 : i32
        %add3A_382 = arith.addi %add3A_380, %add3A_381 : i32
        %mul3A_383 = arith.constant 64 : i32
        %mul3A_384 = arith.muli %add3A_382, %mul3A_383 : i32
        %dma_start3A_385 = arith.constant 0 : i32
        %dma_start3A_386 = arith.constant 0 : i32
        %dma_start3A_387 = tpu.memref_slice %arg11[%dma_start3A_385, %dma_start3A_386] : memref<1x64xi32, #tpu.memory_space<vmem>> -> memref<1x64xi32, #tpu.memory_space<vmem>>
        %dma_start3A_388 = tpu.memref_squeeze %dma_start3A_387 : memref<1x64xi32, #tpu.memory_space<vmem>> -> memref<64xi32, #tpu.memory_space<vmem>>
        %dma_start3A_389 = tpu.memref_slice %arg3[%mul3A_384] : memref<320000xi32, #tpu.memory_space<hbm>> -> memref<64xi32, #tpu.memory_space<hbm>>
        %dma_start3A_390 = arith.constant 0 : i32
        %dma_start3A_391 = tpu.memref_slice %arg11[%dma_start3A_385, %dma_start3A_390] : memref<1x64xi32, #tpu.memory_space<vmem>> -> memref<1x64xi32, #tpu.memory_space<vmem>>
        %dma_start3A_392 = tpu.memref_squeeze %dma_start3A_391 : memref<1x64xi32, #tpu.memory_space<vmem>> -> memref<64xi32, #tpu.memory_space<vmem>>
        %dma_start3A_393 = tpu.memref_slice %arg3[%mul3A_384] : memref<320000xi32, #tpu.memory_space<hbm>> -> memref<64xi32, #tpu.memory_space<hbm>>
        tpu.enqueue_dma source(%dma_start3A_393 : memref<64xi32, #tpu.memory_space<hbm>>) target(%dma_start3A_392 : memref<64xi32, #tpu.memory_space<vmem>>) target_semaphore(%arg26 : memref<!tpu.dma_semaphore, #tpu.memory_space<semaphore_mem>>)
        %dma_start3A_394 = arith.constant 0 : i32
        %dma_start3A_395 = arith.constant 0 : i32
        %dma_start3A_396 = tpu.memref_slice %arg12[%dma_start3A_394, %dma_start3A_395] : memref<1x64xi32, #tpu.memory_space<vmem>> -> memref<1x64xi32, #tpu.memory_space<vmem>>
        %dma_start3A_397 = tpu.memref_squeeze %dma_start3A_396 : memref<1x64xi32, #tpu.memory_space<vmem>> -> memref<64xi32, #tpu.memory_space<vmem>>
        %dma_start3A_398 = tpu.memref_slice %arg4[%mul3A_384] : memref<320000xi32, #tpu.memory_space<hbm>> -> memref<64xi32, #tpu.memory_space<hbm>>
        %dma_start3A_399 = arith.constant 0 : i32
        %dma_start3A_400 = tpu.memref_slice %arg12[%dma_start3A_394, %dma_start3A_399] : memref<1x64xi32, #tpu.memory_space<vmem>> -> memref<1x64xi32, #tpu.memory_space<vmem>>
        %dma_start3A_401 = tpu.memref_squeeze %dma_start3A_400 : memref<1x64xi32, #tpu.memory_space<vmem>> -> memref<64xi32, #tpu.memory_space<vmem>>
        %dma_start3A_402 = tpu.memref_slice %arg4[%mul3A_384] : memref<320000xi32, #tpu.memory_space<hbm>> -> memref<64xi32, #tpu.memory_space<hbm>>
        tpu.enqueue_dma source(%dma_start3A_402 : memref<64xi32, #tpu.memory_space<hbm>>) target(%dma_start3A_401 : memref<64xi32, #tpu.memory_space<vmem>>) target_semaphore(%arg26 : memref<!tpu.dma_semaphore, #tpu.memory_space<semaphore_mem>>)
        %add3A_403 = arith.addi %add3A_9, %mul3A_196 : i32
        %add3A_404 = arith.constant 2 : i32
        %add3A_405 = arith.addi %add3A_403, %add3A_404 : i32
        %mul3A_406 = arith.constant 64 : i32
        %mul3A_407 = arith.muli %add3A_405, %mul3A_406 : i32
        %dma_start3A_408 = arith.constant 0 : i32
        %dma_start3A_409 = arith.constant 0 : i32
        %dma_start3A_410 = tpu.memref_slice %arg15[%dma_start3A_408, %dma_start3A_409] : memref<1x64xi32, #tpu.memory_space<vmem>> -> memref<1x64xi32, #tpu.memory_space<vmem>>
        %dma_start3A_411 = tpu.memref_squeeze %dma_start3A_410 : memref<1x64xi32, #tpu.memory_space<vmem>> -> memref<64xi32, #tpu.memory_space<vmem>>
        %dma_start3A_412 = tpu.memref_slice %arg3[%mul3A_407] : memref<320000xi32, #tpu.memory_space<hbm>> -> memref<64xi32, #tpu.memory_space<hbm>>
        %dma_start3A_413 = arith.constant 0 : i32
        %dma_start3A_414 = tpu.memref_slice %arg15[%dma_start3A_408, %dma_start3A_413] : memref<1x64xi32, #tpu.memory_space<vmem>> -> memref<1x64xi32, #tpu.memory_space<vmem>>
        %dma_start3A_415 = tpu.memref_squeeze %dma_start3A_414 : memref<1x64xi32, #tpu.memory_space<vmem>> -> memref<64xi32, #tpu.memory_space<vmem>>
        %dma_start3A_416 = tpu.memref_slice %arg3[%mul3A_407] : memref<320000xi32, #tpu.memory_space<hbm>> -> memref<64xi32, #tpu.memory_space<hbm>>
        tpu.enqueue_dma source(%dma_start3A_416 : memref<64xi32, #tpu.memory_space<hbm>>) target(%dma_start3A_415 : memref<64xi32, #tpu.memory_space<vmem>>) target_semaphore(%arg28 : memref<!tpu.dma_semaphore, #tpu.memory_space<semaphore_mem>>)
        %dma_start3A_417 = arith.constant 0 : i32
        %dma_start3A_418 = arith.constant 0 : i32
        %dma_start3A_419 = tpu.memref_slice %arg16[%dma_start3A_417, %dma_start3A_418] : memref<1x64xi32, #tpu.memory_space<vmem>> -> memref<1x64xi32, #tpu.memory_space<vmem>>
        %dma_start3A_420 = tpu.memref_squeeze %dma_start3A_419 : memref<1x64xi32, #tpu.memory_space<vmem>> -> memref<64xi32, #tpu.memory_space<vmem>>
        %dma_start3A_421 = tpu.memref_slice %arg4[%mul3A_407] : memref<320000xi32, #tpu.memory_space<hbm>> -> memref<64xi32, #tpu.memory_space<hbm>>
        %dma_start3A_422 = arith.constant 0 : i32
        %dma_start3A_423 = tpu.memref_slice %arg16[%dma_start3A_417, %dma_start3A_422] : memref<1x64xi32, #tpu.memory_space<vmem>> -> memref<1x64xi32, #tpu.memory_space<vmem>>
        %dma_start3A_424 = tpu.memref_squeeze %dma_start3A_423 : memref<1x64xi32, #tpu.memory_space<vmem>> -> memref<64xi32, #tpu.memory_space<vmem>>
        %dma_start3A_425 = tpu.memref_slice %arg4[%mul3A_407] : memref<320000xi32, #tpu.memory_space<hbm>> -> memref<64xi32, #tpu.memory_space<hbm>>
        tpu.enqueue_dma source(%dma_start3A_425 : memref<64xi32, #tpu.memory_space<hbm>>) target(%dma_start3A_424 : memref<64xi32, #tpu.memory_space<vmem>>) target_semaphore(%arg28 : memref<!tpu.dma_semaphore, #tpu.memory_space<semaphore_mem>>)
      } else {
      }
      %dma_wait3A_314 = arith.constant 0 : i32
      %dma_wait3A_315 = arith.constant 0 : i32
      %dma_wait3A_316 = tpu.memref_slice %arg14[%dma_wait3A_314, %dma_wait3A_315] : memref<1x64xi32, #tpu.memory_space<vmem>> -> memref<1x64xi32, #tpu.memory_space<vmem>>
      %dma_wait3A_317 = tpu.memref_squeeze %dma_wait3A_316 : memref<1x64xi32, #tpu.memory_space<vmem>> -> memref<64xi32, #tpu.memory_space<vmem>>
      %dma_wait3A_318 = arith.constant 0 : i32
      %dma_wait3A_319 = arith.constant 0 : i32
      %dma_wait3A_320 = tpu.memref_slice %arg2[%dma_wait3A_318, %dma_wait3A_319] : memref<10000x128xf32, #tpu.memory_space<hbm>> -> memref<10000x128xf32, #tpu.memory_space<hbm>>
      tpu.wait_indirect_dma semaphore(%arg31 : memref<!tpu.dma_semaphore, #tpu.memory_space<semaphore_mem>>) src(%dma_wait3A_320 : memref<10000x128xf32, #tpu.memory_space<hbm>>) dst(%arg21 : memref<64x128xf32, #tpu.memory_space<vmem>>)
      %dma_start3A_321 = arith.constant 0 : i32
      %dma_start3A_322 = arith.constant 0 : i32
      %dma_start3A_323 = tpu.memref_slice %arg13[%dma_start3A_321, %dma_start3A_322] : memref<1x64xi32, #tpu.memory_space<vmem>> -> memref<1x64xi32, #tpu.memory_space<vmem>>
      %dma_start3A_324 = tpu.memref_squeeze %dma_start3A_323 : memref<1x64xi32, #tpu.memory_space<vmem>> -> memref<64xi32, #tpu.memory_space<vmem>>
      %dma_start3A_325 = arith.constant 0 : i32
      %dma_start3A_326 = arith.constant 0 : i32
      %dma_start3A_327 = tpu.memref_slice %arg10[%dma_start3A_325, %dma_start3A_326] : memref<10240x128xf32, #tpu.memory_space<vmem_shared>> -> memref<10240x128xf32, #tpu.memory_space<vmem_shared>>
      tpu.enqueue_indirect_dma source(%arg21 : memref<64x128xf32, #tpu.memory_space<vmem>>) target(%dma_start3A_327 : memref<10240x128xf32, #tpu.memory_space<vmem_shared>>) offsets(%dma_start3A_324 : memref<64xi32, #tpu.memory_space<vmem>>) semaphore(%arg35 : memref<!tpu.dma_semaphore, #tpu.memory_space<semaphore_mem>>) {add = true}
      %dma_wait3A_328 = arith.constant 0 : i32
      %dma_wait3A_329 = arith.constant 0 : i32
      %dma_wait3A_330 = tpu.memref_slice %arg18[%dma_wait3A_328, %dma_wait3A_329] : memref<1x64xi32, #tpu.memory_space<vmem>> -> memref<1x64xi32, #tpu.memory_space<vmem>>
      %dma_wait3A_331 = tpu.memref_squeeze %dma_wait3A_330 : memref<1x64xi32, #tpu.memory_space<vmem>> -> memref<64xi32, #tpu.memory_space<vmem>>
      %dma_wait3A_332 = arith.constant 0 : i32
      %dma_wait3A_333 = arith.constant 0 : i32
      %dma_wait3A_334 = tpu.memref_slice %arg2[%dma_wait3A_332, %dma_wait3A_333] : memref<10000x128xf32, #tpu.memory_space<hbm>> -> memref<10000x128xf32, #tpu.memory_space<hbm>>
      tpu.wait_indirect_dma semaphore(%arg33 : memref<!tpu.dma_semaphore, #tpu.memory_space<semaphore_mem>>) src(%dma_wait3A_334 : memref<10000x128xf32, #tpu.memory_space<hbm>>) dst(%arg23 : memref<64x128xf32, #tpu.memory_space<vmem>>)
      %dma_start3A_335 = arith.constant 0 : i32
      %dma_start3A_336 = arith.constant 0 : i32
      %dma_start3A_337 = tpu.memref_slice %arg17[%dma_start3A_335, %dma_start3A_336] : memref<1x64xi32, #tpu.memory_space<vmem>> -> memref<1x64xi32, #tpu.memory_space<vmem>>
      %dma_start3A_338 = tpu.memref_squeeze %dma_start3A_337 : memref<1x64xi32, #tpu.memory_space<vmem>> -> memref<64xi32, #tpu.memory_space<vmem>>
      %dma_start3A_339 = arith.constant 0 : i32
      %dma_start3A_340 = arith.constant 0 : i32
      %dma_start3A_341 = tpu.memref_slice %arg10[%dma_start3A_339, %dma_start3A_340] : memref<10240x128xf32, #tpu.memory_space<vmem_shared>> -> memref<10240x128xf32, #tpu.memory_space<vmem_shared>>
      tpu.enqueue_indirect_dma source(%arg23 : memref<64x128xf32, #tpu.memory_space<vmem>>) target(%dma_start3A_341 : memref<10240x128xf32, #tpu.memory_space<vmem_shared>>) offsets(%dma_start3A_338 : memref<64xi32, #tpu.memory_space<vmem>>) semaphore(%arg37 : memref<!tpu.dma_semaphore, #tpu.memory_space<semaphore_mem>>) {add = true}
      %scan3A_342 = arith.constant 0 : i32
      %scan3A_343 = arith.constant 4 : i32
      %scan3A_344 = arith.addi %scan3A_342, %scan3A_343 : i32
      %scan3A_345 = arith.constant 1 : i32
      scf.for %scan3A_380 = %scan3A_342 to %scan3A_344 step %scan3A_345  : i32 {
        %mul3A_381 = arith.constant 1 : i32
        %mul3A_382 = arith.muli %scan3A_380, %mul3A_381 : i32
        %add3A_383 = arith.constant 0 : i32
        %add3A_384 = arith.addi %add3A_383, %mul3A_382 : i32
        %mul3A_385 = arith.constant 16 : i32
        %mul3A_386 = arith.muli %add3A_384, %mul3A_385 : i32
        %get3A = arith.constant 0 : i32
        %get3A_387 = arith.index_cast %get3A : i32 to index
        %get3A_388 = arith.index_cast %mul3A_386 : i32 to index
        %get3A_389 = tpu.vector_load %arg13[%get3A_387, %get3A_388] {strides = array<i32>} : memref<1x64xi32, #tpu.memory_space<vmem>>, vector<16xi32>,
        tpu.vector_store_idx %arg24[%get3A_389], %broadcast_in_dim3A_1 {add = true} : memref<10240xf32, #tpu.memory_space<vmem>>[vector<16xi32>], vector<16xf32>,
      }
      %scan3A_346 = arith.constant 4 : i32
      %scan3A_347 = arith.constant 0 : i32
      %scan3A_348 = arith.constant 4 : i32
      %scan3A_349 = arith.addi %scan3A_347, %scan3A_348 : i32
      %scan3A_350 = arith.constant 1 : i32
      scf.for %scan3A_380 = %scan3A_347 to %scan3A_349 step %scan3A_350  : i32 {
        %mul3A_381 = arith.constant 1 : i32
        %mul3A_382 = arith.muli %scan3A_380, %mul3A_381 : i32
        %add3A_383 = arith.constant 0 : i32
        %add3A_384 = arith.addi %add3A_383, %mul3A_382 : i32
        %mul3A_385 = arith.constant 16 : i32
        %mul3A_386 = arith.muli %add3A_384, %mul3A_385 : i32
        %get3A = arith.constant 0 : i32
        %get3A_387 = arith.index_cast %get3A : i32 to index
        %get3A_388 = arith.index_cast %mul3A_386 : i32 to index
        %get3A_389 = tpu.vector_load %arg17[%get3A_387, %get3A_388] {strides = array<i32>} : memref<1x64xi32, #tpu.memory_space<vmem>>, vector<16xi32>,
        tpu.vector_store_idx %arg24[%get3A_389], %broadcast_in_dim3A_1 {add = true} : memref<10240xf32, #tpu.memory_space<vmem>>[vector<16xi32>], vector<16xf32>,
      }
      %scan3A_351 = arith.constant 4 : i32
      %add3A_352 = arith.constant 2 : i32
      %add3A_353 = arith.addi %mul3A_196, %add3A_352 : i32
      %lt3A_354 = arith.constant 78 : i32
      %lt3A_355 = arith.cmpi slt, %add3A_353, %lt3A_354 : i32
      %convert_element_type3A_356 = arith.extui %lt3A_355 : i1 to i32
      %cond3A_357 = arith.constant 0 : i32
      %cond3A_358 = arith.cmpi ne, %convert_element_type3A_356, %cond3A_357 : i32
      scf.if %cond3A_358 {
        %dma_wait3A_380 = arith.constant 0 : i32
        %dma_wait3A_381 = arith.constant 0 : i32
        %dma_wait3A_382 = tpu.memref_slice %arg11[%dma_wait3A_380, %dma_wait3A_381] : memref<1x64xi32, #tpu.memory_space<vmem>> -> memref<1x64xi32, #tpu.memory_space<vmem>>
        %dma_wait3A_383 = tpu.memref_squeeze %dma_wait3A_382 : memref<1x64xi32, #tpu.memory_space<vmem>> -> memref<64xi32, #tpu.memory_space<vmem>>
        %dma_wait3A_384 = arith.constant 0 : i32
        %dma_wait3A_385 = tpu.memref_slice %arg3[%dma_wait3A_384] : memref<320000xi32, #tpu.memory_space<hbm>> -> memref<64xi32, #tpu.memory_space<hbm>>
        %dma_wait3A_386 = arith.constant 0 : i32
        %dma_wait3A_387 = tpu.memref_slice %arg11[%dma_wait3A_380, %dma_wait3A_386] : memref<1x64xi32, #tpu.memory_space<vmem>> -> memref<1x64xi32, #tpu.memory_space<vmem>>
        %dma_wait3A_388 = tpu.memref_squeeze %dma_wait3A_387 : memref<1x64xi32, #tpu.memory_space<vmem>> -> memref<64xi32, #tpu.memory_space<vmem>>
        %dma_wait3A_389 = arith.constant 0 : i32
        %dma_wait3A_390 = tpu.memref_slice %arg3[%dma_wait3A_389] : memref<320000xi32, #tpu.memory_space<hbm>> -> memref<64xi32, #tpu.memory_space<hbm>>
        tpu.wait_dma2 semaphore(%arg26 : memref<!tpu.dma_semaphore, #tpu.memory_space<semaphore_mem>>) src(%dma_wait3A_390 : memref<64xi32, #tpu.memory_space<hbm>>) dst(%dma_wait3A_388 : memref<64xi32, #tpu.memory_space<vmem>>)
        %dma_wait3A_391 = arith.constant 0 : i32
        %dma_wait3A_392 = arith.constant 0 : i32
        %dma_wait3A_393 = tpu.memref_slice %arg12[%dma_wait3A_391, %dma_wait3A_392] : memref<1x64xi32, #tpu.memory_space<vmem>> -> memref<1x64xi32, #tpu.memory_space<vmem>>
        %dma_wait3A_394 = tpu.memref_squeeze %dma_wait3A_393 : memref<1x64xi32, #tpu.memory_space<vmem>> -> memref<64xi32, #tpu.memory_space<vmem>>
        %dma_wait3A_395 = arith.constant 0 : i32
        %dma_wait3A_396 = tpu.memref_slice %arg4[%dma_wait3A_395] : memref<320000xi32, #tpu.memory_space<hbm>> -> memref<64xi32, #tpu.memory_space<hbm>>
        %dma_wait3A_397 = arith.constant 0 : i32
        %dma_wait3A_398 = tpu.memref_slice %arg12[%dma_wait3A_391, %dma_wait3A_397] : memref<1x64xi32, #tpu.memory_space<vmem>> -> memref<1x64xi32, #tpu.memory_space<vmem>>
        %dma_wait3A_399 = tpu.memref_squeeze %dma_wait3A_398 : memref<1x64xi32, #tpu.memory_space<vmem>> -> memref<64xi32, #tpu.memory_space<vmem>>
        %dma_wait3A_400 = arith.constant 0 : i32
        %dma_wait3A_401 = tpu.memref_slice %arg4[%dma_wait3A_400] : memref<320000xi32, #tpu.memory_space<hbm>> -> memref<64xi32, #tpu.memory_space<hbm>>
        tpu.wait_dma2 semaphore(%arg26 : memref<!tpu.dma_semaphore, #tpu.memory_space<semaphore_mem>>) src(%dma_wait3A_401 : memref<64xi32, #tpu.memory_space<hbm>>) dst(%dma_wait3A_399 : memref<64xi32, #tpu.memory_space<vmem>>)
        %dma_start3A_402 = arith.constant 0 : i32
        %dma_start3A_403 = arith.constant 0 : i32
        %dma_start3A_404 = tpu.memref_slice %arg12[%dma_start3A_402, %dma_start3A_403] : memref<1x64xi32, #tpu.memory_space<vmem>> -> memref<1x64xi32, #tpu.memory_space<vmem>>
        %dma_start3A_405 = tpu.memref_squeeze %dma_start3A_404 : memref<1x64xi32, #tpu.memory_space<vmem>> -> memref<64xi32, #tpu.memory_space<vmem>>
        %dma_start3A_406 = arith.constant 0 : i32
        %dma_start3A_407 = arith.constant 0 : i32
        %dma_start3A_408 = tpu.memref_slice %arg2[%dma_start3A_406, %dma_start3A_407] : memref<10000x128xf32, #tpu.memory_space<hbm>> -> memref<10000x128xf32, #tpu.memory_space<hbm>>
        tpu.enqueue_indirect_dma source(%dma_start3A_408 : memref<10000x128xf32, #tpu.memory_space<hbm>>) target(%arg20 : memref<64x128xf32, #tpu.memory_space<vmem>>) offsets(%dma_start3A_405 : memref<64xi32, #tpu.memory_space<vmem>>) semaphore(%arg30 : memref<!tpu.dma_semaphore, #tpu.memory_space<semaphore_mem>>)
        %dma_wait3A_409 = arith.constant 0 : i32
        %dma_wait3A_410 = arith.constant 0 : i32
        %dma_wait3A_411 = tpu.memref_slice %arg15[%dma_wait3A_409, %dma_wait3A_410] : memref<1x64xi32, #tpu.memory_space<vmem>> -> memref<1x64xi32, #tpu.memory_space<vmem>>
        %dma_wait3A_412 = tpu.memref_squeeze %dma_wait3A_411 : memref<1x64xi32, #tpu.memory_space<vmem>> -> memref<64xi32, #tpu.memory_space<vmem>>
        %dma_wait3A_413 = arith.constant 0 : i32
        %dma_wait3A_414 = tpu.memref_slice %arg3[%dma_wait3A_413] : memref<320000xi32, #tpu.memory_space<hbm>> -> memref<64xi32, #tpu.memory_space<hbm>>
        %dma_wait3A_415 = arith.constant 0 : i32
        %dma_wait3A_416 = tpu.memref_slice %arg15[%dma_wait3A_409, %dma_wait3A_415] : memref<1x64xi32, #tpu.memory_space<vmem>> -> memref<1x64xi32, #tpu.memory_space<vmem>>
        %dma_wait3A_417 = tpu.memref_squeeze %dma_wait3A_416 : memref<1x64xi32, #tpu.memory_space<vmem>> -> memref<64xi32, #tpu.memory_space<vmem>>
        %dma_wait3A_418 = arith.constant 0 : i32
        %dma_wait3A_419 = tpu.memref_slice %arg3[%dma_wait3A_418] : memref<320000xi32, #tpu.memory_space<hbm>> -> memref<64xi32, #tpu.memory_space<hbm>>
        tpu.wait_dma2 semaphore(%arg28 : memref<!tpu.dma_semaphore, #tpu.memory_space<semaphore_mem>>) src(%dma_wait3A_419 : memref<64xi32, #tpu.memory_space<hbm>>) dst(%dma_wait3A_417 : memref<64xi32, #tpu.memory_space<vmem>>)
        %dma_wait3A_420 = arith.constant 0 : i32
        %dma_wait3A_421 = arith.constant 0 : i32
        %dma_wait3A_422 = tpu.memref_slice %arg16[%dma_wait3A_420, %dma_wait3A_421] : memref<1x64xi32, #tpu.memory_space<vmem>> -> memref<1x64xi32, #tpu.memory_space<vmem>>
        %dma_wait3A_423 = tpu.memref_squeeze %dma_wait3A_422 : memref<1x64xi32, #tpu.memory_space<vmem>> -> memref<64xi32, #tpu.memory_space<vmem>>
        %dma_wait3A_424 = arith.constant 0 : i32
        %dma_wait3A_425 = tpu.memref_slice %arg4[%dma_wait3A_424] : memref<320000xi32, #tpu.memory_space<hbm>> -> memref<64xi32, #tpu.memory_space<hbm>>
        %dma_wait3A_426 = arith.constant 0 : i32
        %dma_wait3A_427 = tpu.memref_slice %arg16[%dma_wait3A_420, %dma_wait3A_426] : memref<1x64xi32, #tpu.memory_space<vmem>> -> memref<1x64xi32, #tpu.memory_space<vmem>>
        %dma_wait3A_428 = tpu.memref_squeeze %dma_wait3A_427 : memref<1x64xi32, #tpu.memory_space<vmem>> -> memref<64xi32, #tpu.memory_space<vmem>>
        %dma_wait3A_429 = arith.constant 0 : i32
        %dma_wait3A_430 = tpu.memref_slice %arg4[%dma_wait3A_429] : memref<320000xi32, #tpu.memory_space<hbm>> -> memref<64xi32, #tpu.memory_space<hbm>>
        tpu.wait_dma2 semaphore(%arg28 : memref<!tpu.dma_semaphore, #tpu.memory_space<semaphore_mem>>) src(%dma_wait3A_430 : memref<64xi32, #tpu.memory_space<hbm>>) dst(%dma_wait3A_428 : memref<64xi32, #tpu.memory_space<vmem>>)
        %dma_start3A_431 = arith.constant 0 : i32
        %dma_start3A_432 = arith.constant 0 : i32
        %dma_start3A_433 = tpu.memref_slice %arg16[%dma_start3A_431, %dma_start3A_432] : memref<1x64xi32, #tpu.memory_space<vmem>> -> memref<1x64xi32, #tpu.memory_space<vmem>>
        %dma_start3A_434 = tpu.memref_squeeze %dma_start3A_433 : memref<1x64xi32, #tpu.memory_space<vmem>> -> memref<64xi32, #tpu.memory_space<vmem>>
        %dma_start3A_435 = arith.constant 0 : i32
        %dma_start3A_436 = arith.constant 0 : i32
        %dma_start3A_437 = tpu.memref_slice %arg2[%dma_start3A_435, %dma_start3A_436] : memref<10000x128xf32, #tpu.memory_space<hbm>> -> memref<10000x128xf32, #tpu.memory_space<hbm>>
        tpu.enqueue_indirect_dma source(%dma_start3A_437 : memref<10000x128xf32, #tpu.memory_space<hbm>>) target(%arg22 : memref<64x128xf32, #tpu.memory_space<vmem>>) offsets(%dma_start3A_434 : memref<64xi32, #tpu.memory_space<vmem>>) semaphore(%arg32 : memref<!tpu.dma_semaphore, #tpu.memory_space<semaphore_mem>>)
      } else {
      }
      %dma_wait3A_359 = arith.constant 0 : i32
      %dma_wait3A_360 = arith.constant 0 : i32
      %dma_wait3A_361 = tpu.memref_slice %arg13[%dma_wait3A_359, %dma_wait3A_360] : memref<1x64xi32, #tpu.memory_space<vmem>> -> memref<1x64xi32, #tpu.memory_space<vmem>>
      %dma_wait3A_362 = tpu.memref_squeeze %dma_wait3A_361 : memref<1x64xi32, #tpu.memory_space<vmem>> -> memref<64xi32, #tpu.memory_space<vmem>>
      %dma_wait3A_363 = arith.constant 0 : i32
      %dma_wait3A_364 = arith.constant 0 : i32
      %dma_wait3A_365 = tpu.memref_slice %arg10[%dma_wait3A_363, %dma_wait3A_364] : memref<10240x128xf32, #tpu.memory_space<vmem_shared>> -> memref<10240x128xf32, #tpu.memory_space<vmem_shared>>
      tpu.wait_indirect_dma semaphore(%arg35 : memref<!tpu.dma_semaphore, #tpu.memory_space<semaphore_mem>>) src(%arg21 : memref<64x128xf32, #tpu.memory_space<vmem>>) dst(%dma_wait3A_365 : memref<10240x128xf32, #tpu.memory_space<vmem_shared>>)
      %dma_wait3A_366 = arith.constant 0 : i32
      %dma_wait3A_367 = arith.constant 0 : i32
      %dma_wait3A_368 = tpu.memref_slice %arg17[%dma_wait3A_366, %dma_wait3A_367] : memref<1x64xi32, #tpu.memory_space<vmem>> -> memref<1x64xi32, #tpu.memory_space<vmem>>
      %dma_wait3A_369 = tpu.memref_squeeze %dma_wait3A_368 : memref<1x64xi32, #tpu.memory_space<vmem>> -> memref<64xi32, #tpu.memory_space<vmem>>
      %dma_wait3A_370 = arith.constant 0 : i32
      %dma_wait3A_371 = arith.constant 0 : i32
      %dma_wait3A_372 = tpu.memref_slice %arg10[%dma_wait3A_370, %dma_wait3A_371] : memref<10240x128xf32, #tpu.memory_space<vmem_shared>> -> memref<10240x128xf32, #tpu.memory_space<vmem_shared>>
      tpu.wait_indirect_dma semaphore(%arg37 : memref<!tpu.dma_semaphore, #tpu.memory_space<semaphore_mem>>) src(%arg23 : memref<64x128xf32, #tpu.memory_space<vmem>>) dst(%dma_wait3A_372 : memref<10240x128xf32, #tpu.memory_space<vmem_shared>>)
      %add3A_373 = arith.constant 3 : i32
      %add3A_374 = arith.addi %mul3A_196, %add3A_373 : i32
      %lt3A_375 = arith.constant 78 : i32
      %lt3A_376 = arith.cmpi slt, %add3A_374, %lt3A_375 : i32
      %convert_element_type3A_377 = arith.extui %lt3A_376 : i1 to i32
      %cond3A_378 = arith.constant 0 : i32
      %cond3A_379 = arith.cmpi ne, %convert_element_type3A_377, %cond3A_378 : i32
      scf.if %cond3A_379 {
        %add3A_380 = arith.addi %mul3A_7, %mul3A_196 : i32
        %add3A_381 = arith.constant 3 : i32
        %add3A_382 = arith.addi %add3A_380, %add3A_381 : i32
        %mul3A_383 = arith.constant 64 : i32
        %mul3A_384 = arith.muli %add3A_382, %mul3A_383 : i32
        %dma_start3A_385 = arith.constant 0 : i32
        %dma_start3A_386 = arith.constant 0 : i32
        %dma_start3A_387 = tpu.memref_slice %arg13[%dma_start3A_385, %dma_start3A_386] : memref<1x64xi32, #tpu.memory_space<vmem>> -> memref<1x64xi32, #tpu.memory_space<vmem>>
        %dma_start3A_388 = tpu.memref_squeeze %dma_start3A_387 : memref<1x64xi32, #tpu.memory_space<vmem>> -> memref<64xi32, #tpu.memory_space<vmem>>
        %dma_start3A_389 = tpu.memref_slice %arg3[%mul3A_384] : memref<320000xi32, #tpu.memory_space<hbm>> -> memref<64xi32, #tpu.memory_space<hbm>>
        %dma_start3A_390 = arith.constant 0 : i32
        %dma_start3A_391 = tpu.memref_slice %arg13[%dma_start3A_385, %dma_start3A_390] : memref<1x64xi32, #tpu.memory_space<vmem>> -> memref<1x64xi32, #tpu.memory_space<vmem>>
        %dma_start3A_392 = tpu.memref_squeeze %dma_start3A_391 : memref<1x64xi32, #tpu.memory_space<vmem>> -> memref<64xi32, #tpu.memory_space<vmem>>
        %dma_start3A_393 = tpu.memref_slice %arg3[%mul3A_384] : memref<320000xi32, #tpu.memory_space<hbm>> -> memref<64xi32, #tpu.memory_space<hbm>>
        tpu.enqueue_dma source(%dma_start3A_393 : memref<64xi32, #tpu.memory_space<hbm>>) target(%dma_start3A_392 : memref<64xi32, #tpu.memory_space<vmem>>) target_semaphore(%arg27 : memref<!tpu.dma_semaphore, #tpu.memory_space<semaphore_mem>>)
        %dma_start3A_394 = arith.constant 0 : i32
        %dma_start3A_395 = arith.constant 0 : i32
        %dma_start3A_396 = tpu.memref_slice %arg14[%dma_start3A_394, %dma_start3A_395] : memref<1x64xi32, #tpu.memory_space<vmem>> -> memref<1x64xi32, #tpu.memory_space<vmem>>
        %dma_start3A_397 = tpu.memref_squeeze %dma_start3A_396 : memref<1x64xi32, #tpu.memory_space<vmem>> -> memref<64xi32, #tpu.memory_space<vmem>>
        %dma_start3A_398 = tpu.memref_slice %arg4[%mul3A_384] : memref<320000xi32, #tpu.memory_space<hbm>> -> memref<64xi32, #tpu.memory_space<hbm>>
        %dma_start3A_399 = arith.constant 0 : i32
        %dma_start3A_400 = tpu.memref_slice %arg14[%dma_start3A_394, %dma_start3A_399] : memref<1x64xi32, #tpu.memory_space<vmem>> -> memref<1x64xi32, #tpu.memory_space<vmem>>
        %dma_start3A_401 = tpu.memref_squeeze %dma_start3A_400 : memref<1x64xi32, #tpu.memory_space<vmem>> -> memref<64xi32, #tpu.memory_space<vmem>>
        %dma_start3A_402 = tpu.memref_slice %arg4[%mul3A_384] : memref<320000xi32, #tpu.memory_space<hbm>> -> memref<64xi32, #tpu.memory_space<hbm>>
        tpu.enqueue_dma source(%dma_start3A_402 : memref<64xi32, #tpu.memory_space<hbm>>) target(%dma_start3A_401 : memref<64xi32, #tpu.memory_space<vmem>>) target_semaphore(%arg27 : memref<!tpu.dma_semaphore, #tpu.memory_space<semaphore_mem>>)
        %add3A_403 = arith.addi %add3A_9, %mul3A_196 : i32
        %add3A_404 = arith.constant 3 : i32
        %add3A_405 = arith.addi %add3A_403, %add3A_404 : i32
        %mul3A_406 = arith.constant 64 : i32
        %mul3A_407 = arith.muli %add3A_405, %mul3A_406 : i32
        %dma_start3A_408 = arith.constant 0 : i32
        %dma_start3A_409 = arith.constant 0 : i32
        %dma_start3A_410 = tpu.memref_slice %arg17[%dma_start3A_408, %dma_start3A_409] : memref<1x64xi32, #tpu.memory_space<vmem>> -> memref<1x64xi32, #tpu.memory_space<vmem>>
        %dma_start3A_411 = tpu.memref_squeeze %dma_start3A_410 : memref<1x64xi32, #tpu.memory_space<vmem>> -> memref<64xi32, #tpu.memory_space<vmem>>
        %dma_start3A_412 = tpu.memref_slice %arg3[%mul3A_407] : memref<320000xi32, #tpu.memory_space<hbm>> -> memref<64xi32, #tpu.memory_space<hbm>>
        %dma_start3A_413 = arith.constant 0 : i32
        %dma_start3A_414 = tpu.memref_slice %arg17[%dma_start3A_408, %dma_start3A_413] : memref<1x64xi32, #tpu.memory_space<vmem>> -> memref<1x64xi32, #tpu.memory_space<vmem>>
        %dma_start3A_415 = tpu.memref_squeeze %dma_start3A_414 : memref<1x64xi32, #tpu.memory_space<vmem>> -> memref<64xi32, #tpu.memory_space<vmem>>
        %dma_start3A_416 = tpu.memref_slice %arg3[%mul3A_407] : memref<320000xi32, #tpu.memory_space<hbm>> -> memref<64xi32, #tpu.memory_space<hbm>>
        tpu.enqueue_dma source(%dma_start3A_416 : memref<64xi32, #tpu.memory_space<hbm>>) target(%dma_start3A_415 : memref<64xi32, #tpu.memory_space<vmem>>) target_semaphore(%arg29 : memref<!tpu.dma_semaphore, #tpu.memory_space<semaphore_mem>>)
        %dma_start3A_417 = arith.constant 0 : i32
        %dma_start3A_418 = arith.constant 0 : i32
        %dma_start3A_419 = tpu.memref_slice %arg18[%dma_start3A_417, %dma_start3A_418] : memref<1x64xi32, #tpu.memory_space<vmem>> -> memref<1x64xi32, #tpu.memory_space<vmem>>
        %dma_start3A_420 = tpu.memref_squeeze %dma_start3A_419 : memref<1x64xi32, #tpu.memory_space<vmem>> -> memref<64xi32, #tpu.memory_space<vmem>>
        %dma_start3A_421 = tpu.memref_slice %arg4[%mul3A_407] : memref<320000xi32, #tpu.memory_space<hbm>> -> memref<64xi32, #tpu.memory_space<hbm>>
        %dma_start3A_422 = arith.constant 0 : i32
        %dma_start3A_423 = tpu.memref_slice %arg18[%dma_start3A_417, %dma_start3A_422] : memref<1x64xi32, #tpu.memory_space<vmem>> -> memref<1x64xi32, #tpu.memory_space<vmem>>
        %dma_start3A_424 = tpu.memref_squeeze %dma_start3A_423 : memref<1x64xi32, #tpu.memory_space<vmem>> -> memref<64xi32, #tpu.memory_space<vmem>>
        %dma_start3A_425 = tpu.memref_slice %arg4[%mul3A_407] : memref<320000xi32, #tpu.memory_space<hbm>> -> memref<64xi32, #tpu.memory_space<hbm>>
        tpu.enqueue_dma source(%dma_start3A_425 : memref<64xi32, #tpu.memory_space<hbm>>) target(%dma_start3A_424 : memref<64xi32, #tpu.memory_space<vmem>>) target_semaphore(%arg29 : memref<!tpu.dma_semaphore, #tpu.memory_space<semaphore_mem>>)
      } else {
      }
    }
    %scan3A_159 = arith.constant 39 : i32
    %lt3A = arith.constant 8 : i32
    %lt3A_160 = arith.cmpi slt, %add3A, %lt3A : i32
    %convert_element_type3A = arith.extui %lt3A_160 : i1 to i32
    %cond3A = arith.constant 0 : i32
    %cond3A_161 = arith.cmpi ne, %convert_element_type3A, %cond3A : i32
    scf.if %cond3A_161 {
      %add3A_190 = arith.constant 4992 : i32
      %add3A_191 = arith.addi %add3A_190, %add3A : i32
      %mul3A_192 = arith.constant 64 : i32
      %mul3A_193 = arith.muli %add3A_191, %mul3A_192 : i32
      %dma_start3A_194 = arith.constant 0 : i32
      %dma_start3A_195 = arith.constant 0 : i32
      %dma_start3A_196 = tpu.memref_slice %arg11[%dma_start3A_194, %dma_start3A_195] : memref<1x64xi32, #tpu.memory_space<vmem>> -> memref<1x64xi32, #tpu.memory_space<vmem>>
      %dma_start3A_197 = tpu.memref_squeeze %dma_start3A_196 : memref<1x64xi32, #tpu.memory_space<vmem>> -> memref<64xi32, #tpu.memory_space<vmem>>
      %dma_start3A_198 = tpu.memref_slice %arg3[%mul3A_193] : memref<320000xi32, #tpu.memory_space<hbm>> -> memref<64xi32, #tpu.memory_space<hbm>>
      %dma_start3A_199 = arith.constant 0 : i32
      %dma_start3A_200 = tpu.memref_slice %arg11[%dma_start3A_194, %dma_start3A_199] : memref<1x64xi32, #tpu.memory_space<vmem>> -> memref<1x64xi32, #tpu.memory_space<vmem>>
      %dma_start3A_201 = tpu.memref_squeeze %dma_start3A_200 : memref<1x64xi32, #tpu.memory_space<vmem>> -> memref<64xi32, #tpu.memory_space<vmem>>
      %dma_start3A_202 = tpu.memref_slice %arg3[%mul3A_193] : memref<320000xi32, #tpu.memory_space<hbm>> -> memref<64xi32, #tpu.memory_space<hbm>>
      tpu.enqueue_dma source(%dma_start3A_202 : memref<64xi32, #tpu.memory_space<hbm>>) target(%dma_start3A_201 : memref<64xi32, #tpu.memory_space<vmem>>) target_semaphore(%arg26 : memref<!tpu.dma_semaphore, #tpu.memory_space<semaphore_mem>>)
      %dma_start3A_203 = arith.constant 0 : i32
      %dma_start3A_204 = arith.constant 0 : i32
      %dma_start3A_205 = tpu.memref_slice %arg12[%dma_start3A_203, %dma_start3A_204] : memref<1x64xi32, #tpu.memory_space<vmem>> -> memref<1x64xi32, #tpu.memory_space<vmem>>
      %dma_start3A_206 = tpu.memref_squeeze %dma_start3A_205 : memref<1x64xi32, #tpu.memory_space<vmem>> -> memref<64xi32, #tpu.memory_space<vmem>>
      %dma_start3A_207 = tpu.memref_slice %arg4[%mul3A_193] : memref<320000xi32, #tpu.memory_space<hbm>> -> memref<64xi32, #tpu.memory_space<hbm>>
      %dma_start3A_208 = arith.constant 0 : i32
      %dma_start3A_209 = tpu.memref_slice %arg12[%dma_start3A_203, %dma_start3A_208] : memref<1x64xi32, #tpu.memory_space<vmem>> -> memref<1x64xi32, #tpu.memory_space<vmem>>
      %dma_start3A_210 = tpu.memref_squeeze %dma_start3A_209 : memref<1x64xi32, #tpu.memory_space<vmem>> -> memref<64xi32, #tpu.memory_space<vmem>>
      %dma_start3A_211 = tpu.memref_slice %arg4[%mul3A_193] : memref<320000xi32, #tpu.memory_space<hbm>> -> memref<64xi32, #tpu.memory_space<hbm>>
      tpu.enqueue_dma source(%dma_start3A_211 : memref<64xi32, #tpu.memory_space<hbm>>) target(%dma_start3A_210 : memref<64xi32, #tpu.memory_space<vmem>>) target_semaphore(%arg26 : memref<!tpu.dma_semaphore, #tpu.memory_space<semaphore_mem>>)
      %dma_wait3A_212 = arith.constant 0 : i32
      %dma_wait3A_213 = arith.constant 0 : i32
      %dma_wait3A_214 = tpu.memref_slice %arg11[%dma_wait3A_212, %dma_wait3A_213] : memref<1x64xi32, #tpu.memory_space<vmem>> -> memref<1x64xi32, #tpu.memory_space<vmem>>
      %dma_wait3A_215 = tpu.memref_squeeze %dma_wait3A_214 : memref<1x64xi32, #tpu.memory_space<vmem>> -> memref<64xi32, #tpu.memory_space<vmem>>
      %dma_wait3A_216 = arith.constant 0 : i32
      %dma_wait3A_217 = tpu.memref_slice %arg3[%dma_wait3A_216] : memref<320000xi32, #tpu.memory_space<hbm>> -> memref<64xi32, #tpu.memory_space<hbm>>
      %dma_wait3A_218 = arith.constant 0 : i32
      %dma_wait3A_219 = tpu.memref_slice %arg11[%dma_wait3A_212, %dma_wait3A_218] : memref<1x64xi32, #tpu.memory_space<vmem>> -> memref<1x64xi32, #tpu.memory_space<vmem>>
      %dma_wait3A_220 = tpu.memref_squeeze %dma_wait3A_219 : memref<1x64xi32, #tpu.memory_space<vmem>> -> memref<64xi32, #tpu.memory_space<vmem>>
      %dma_wait3A_221 = arith.constant 0 : i32
      %dma_wait3A_222 = tpu.memref_slice %arg3[%dma_wait3A_221] : memref<320000xi32, #tpu.memory_space<hbm>> -> memref<64xi32, #tpu.memory_space<hbm>>
      tpu.wait_dma2 semaphore(%arg26 : memref<!tpu.dma_semaphore, #tpu.memory_space<semaphore_mem>>) src(%dma_wait3A_222 : memref<64xi32, #tpu.memory_space<hbm>>) dst(%dma_wait3A_220 : memref<64xi32, #tpu.memory_space<vmem>>)
      %dma_wait3A_223 = arith.constant 0 : i32
      %dma_wait3A_224 = arith.constant 0 : i32
      %dma_wait3A_225 = tpu.memref_slice %arg12[%dma_wait3A_223, %dma_wait3A_224] : memref<1x64xi32, #tpu.memory_space<vmem>> -> memref<1x64xi32, #tpu.memory_space<vmem>>
      %dma_wait3A_226 = tpu.memref_squeeze %dma_wait3A_225 : memref<1x64xi32, #tpu.memory_space<vmem>> -> memref<64xi32, #tpu.memory_space<vmem>>
      %dma_wait3A_227 = arith.constant 0 : i32
      %dma_wait3A_228 = tpu.memref_slice %arg4[%dma_wait3A_227] : memref<320000xi32, #tpu.memory_space<hbm>> -> memref<64xi32, #tpu.memory_space<hbm>>
      %dma_wait3A_229 = arith.constant 0 : i32
      %dma_wait3A_230 = tpu.memref_slice %arg12[%dma_wait3A_223, %dma_wait3A_229] : memref<1x64xi32, #tpu.memory_space<vmem>> -> memref<1x64xi32, #tpu.memory_space<vmem>>
      %dma_wait3A_231 = tpu.memref_squeeze %dma_wait3A_230 : memref<1x64xi32, #tpu.memory_space<vmem>> -> memref<64xi32, #tpu.memory_space<vmem>>
      %dma_wait3A_232 = arith.constant 0 : i32
      %dma_wait3A_233 = tpu.memref_slice %arg4[%dma_wait3A_232] : memref<320000xi32, #tpu.memory_space<hbm>> -> memref<64xi32, #tpu.memory_space<hbm>>
      tpu.wait_dma2 semaphore(%arg26 : memref<!tpu.dma_semaphore, #tpu.memory_space<semaphore_mem>>) src(%dma_wait3A_233 : memref<64xi32, #tpu.memory_space<hbm>>) dst(%dma_wait3A_231 : memref<64xi32, #tpu.memory_space<vmem>>)
      %dma_start3A_234 = arith.constant 0 : i32
      %dma_start3A_235 = arith.constant 0 : i32
      %dma_start3A_236 = tpu.memref_slice %arg12[%dma_start3A_234, %dma_start3A_235] : memref<1x64xi32, #tpu.memory_space<vmem>> -> memref<1x64xi32, #tpu.memory_space<vmem>>
      %dma_start3A_237 = tpu.memref_squeeze %dma_start3A_236 : memref<1x64xi32, #tpu.memory_space<vmem>> -> memref<64xi32, #tpu.memory_space<vmem>>
      %dma_start3A_238 = arith.constant 0 : i32
      %dma_start3A_239 = arith.constant 0 : i32
      %dma_start3A_240 = tpu.memref_slice %arg2[%dma_start3A_238, %dma_start3A_239] : memref<10000x128xf32, #tpu.memory_space<hbm>> -> memref<10000x128xf32, #tpu.memory_space<hbm>>
      tpu.enqueue_indirect_dma source(%dma_start3A_240 : memref<10000x128xf32, #tpu.memory_space<hbm>>) target(%arg20 : memref<64x128xf32, #tpu.memory_space<vmem>>) offsets(%dma_start3A_237 : memref<64xi32, #tpu.memory_space<vmem>>) semaphore(%arg30 : memref<!tpu.dma_semaphore, #tpu.memory_space<semaphore_mem>>)
      %dma_wait3A_241 = arith.constant 0 : i32
      %dma_wait3A_242 = arith.constant 0 : i32
      %dma_wait3A_243 = tpu.memref_slice %arg12[%dma_wait3A_241, %dma_wait3A_242] : memref<1x64xi32, #tpu.memory_space<vmem>> -> memref<1x64xi32, #tpu.memory_space<vmem>>
      %dma_wait3A_244 = tpu.memref_squeeze %dma_wait3A_243 : memref<1x64xi32, #tpu.memory_space<vmem>> -> memref<64xi32, #tpu.memory_space<vmem>>
      %dma_wait3A_245 = arith.constant 0 : i32
      %dma_wait3A_246 = arith.constant 0 : i32
      %dma_wait3A_247 = tpu.memref_slice %arg2[%dma_wait3A_245, %dma_wait3A_246] : memref<10000x128xf32, #tpu.memory_space<hbm>> -> memref<10000x128xf32, #tpu.memory_space<hbm>>
      tpu.wait_indirect_dma semaphore(%arg30 : memref<!tpu.dma_semaphore, #tpu.memory_space<semaphore_mem>>) src(%dma_wait3A_247 : memref<10000x128xf32, #tpu.memory_space<hbm>>) dst(%arg20 : memref<64x128xf32, #tpu.memory_space<vmem>>)
      %dma_start3A_248 = arith.constant 0 : i32
      %dma_start3A_249 = arith.constant 0 : i32
      %dma_start3A_250 = tpu.memref_slice %arg11[%dma_start3A_248, %dma_start3A_249] : memref<1x64xi32, #tpu.memory_space<vmem>> -> memref<1x64xi32, #tpu.memory_space<vmem>>
      %dma_start3A_251 = tpu.memref_squeeze %dma_start3A_250 : memref<1x64xi32, #tpu.memory_space<vmem>> -> memref<64xi32, #tpu.memory_space<vmem>>
      %dma_start3A_252 = arith.constant 0 : i32
      %dma_start3A_253 = arith.constant 0 : i32
      %dma_start3A_254 = tpu.memref_slice %arg10[%dma_start3A_252, %dma_start3A_253] : memref<10240x128xf32, #tpu.memory_space<vmem_shared>> -> memref<10240x128xf32, #tpu.memory_space<vmem_shared>>
      tpu.enqueue_indirect_dma source(%arg20 : memref<64x128xf32, #tpu.memory_space<vmem>>) target(%dma_start3A_254 : memref<10240x128xf32, #tpu.memory_space<vmem_shared>>) offsets(%dma_start3A_251 : memref<64xi32, #tpu.memory_space<vmem>>) semaphore(%arg34 : memref<!tpu.dma_semaphore, #tpu.memory_space<semaphore_mem>>) {add = true}
      %scan3A_255 = arith.constant 0 : i32
      %scan3A_256 = arith.constant 4 : i32
      %scan3A_257 = arith.addi %scan3A_255, %scan3A_256 : i32
      %scan3A_258 = arith.constant 1 : i32
      scf.for %scan3A_267 = %scan3A_255 to %scan3A_257 step %scan3A_258  : i32 {
        %mul3A_268 = arith.constant 1 : i32
        %mul3A_269 = arith.muli %scan3A_267, %mul3A_268 : i32
        %add3A_270 = arith.constant 0 : i32
        %add3A_271 = arith.addi %add3A_270, %mul3A_269 : i32
        %mul3A_272 = arith.constant 16 : i32
        %mul3A_273 = arith.muli %add3A_271, %mul3A_272 : i32
        %get3A = arith.constant 0 : i32
        %get3A_274 = arith.index_cast %get3A : i32 to index
        %get3A_275 = arith.index_cast %mul3A_273 : i32 to index
        %get3A_276 = tpu.vector_load %arg11[%get3A_274, %get3A_275] {strides = array<i32>} : memref<1x64xi32, #tpu.memory_space<vmem>>, vector<16xi32>,
        tpu.vector_store_idx %arg24[%get3A_276], %broadcast_in_dim3A_1 {add = true} : memref<10240xf32, #tpu.memory_space<vmem>>[vector<16xi32>], vector<16xf32>,
      }
      %scan3A_259 = arith.constant 4 : i32
      %dma_wait3A_260 = arith.constant 0 : i32
      %dma_wait3A_261 = arith.constant 0 : i32
      %dma_wait3A_262 = tpu.memref_slice %arg11[%dma_wait3A_260, %dma_wait3A_261] : memref<1x64xi32, #tpu.memory_space<vmem>> -> memref<1x64xi32, #tpu.memory_space<vmem>>
      %dma_wait3A_263 = tpu.memref_squeeze %dma_wait3A_262 : memref<1x64xi32, #tpu.memory_space<vmem>> -> memref<64xi32, #tpu.memory_space<vmem>>
      %dma_wait3A_264 = arith.constant 0 : i32
      %dma_wait3A_265 = arith.constant 0 : i32
      %dma_wait3A_266 = tpu.memref_slice %arg10[%dma_wait3A_264, %dma_wait3A_265] : memref<10240x128xf32, #tpu.memory_space<vmem_shared>> -> memref<10240x128xf32, #tpu.memory_space<vmem_shared>>
      tpu.wait_indirect_dma semaphore(%arg34 : memref<!tpu.dma_semaphore, #tpu.memory_space<semaphore_mem>>) src(%arg20 : memref<64x128xf32, #tpu.memory_space<vmem>>) dst(%dma_wait3A_266 : memref<10240x128xf32, #tpu.memory_space<vmem_shared>>)
    } else {
    }
    %barrier3A_162 = arith.constant 0 : index
    tpu.barrier barrier_id(%barrier3A_162)
    %dma_start3A_163 = arith.constant 0 : i32
    %dma_start3A_164 = tpu.memref_slice %arg9[%arg0, %arg1, %dma_start3A_163] : memref<2x16x10240xf32, #tpu.memory_space<hbm>> -> memref<1x1x10240xf32, #tpu.memory_space<hbm>>
    %dma_start3A_165 = tpu.memref_squeeze %dma_start3A_164 : memref<1x1x10240xf32, #tpu.memory_space<hbm>> -> memref<10240xf32, #tpu.memory_space<hbm>>
    %dma_start3A_166 = arith.constant 0 : i32
    %dma_start3A_167 = tpu.memref_slice %arg9[%arg0, %arg1, %dma_start3A_166] : memref<2x16x10240xf32, #tpu.memory_space<hbm>> -> memref<1x1x10240xf32, #tpu.memory_space<hbm>>
    %dma_start3A_168 = tpu.memref_squeeze %dma_start3A_167 : memref<1x1x10240xf32, #tpu.memory_space<hbm>> -> memref<10240xf32, #tpu.memory_space<hbm>>
    tpu.enqueue_dma source(%arg24 : memref<10240xf32, #tpu.memory_space<vmem>>) target(%dma_start3A_168 : memref<10240xf32, #tpu.memory_space<hbm>>) target_semaphore(%arg25 : memref<!tpu.dma_semaphore, #tpu.memory_space<semaphore_mem>>)
    %dma_start3A_169 = arith.constant 0 : i32
    %dma_start3A_170 = arith.constant 0 : i32
    %dma_start3A_171 = arith.constant 0 : i32
    %dma_start3A_172 = tpu.memref_slice %arg20[%dma_start3A_170, %dma_start3A_171] : memref<64x128xf32, #tpu.memory_space<vmem>> -> memref<64x128xf32, #tpu.memory_space<vmem>>
    %dma_start3A_173 = arith.constant 0 : i32
    %dma_start3A_174 = tpu.memref_slice %arg19[%dma_start3A_169, %dma_start3A_173] : memref<10x64xi32, #tpu.memory_space<vmem>> -> memref<1x64xi32, #tpu.memory_space<vmem>>
    %dma_start3A_175 = tpu.memref_squeeze %dma_start3A_174 : memref<1x64xi32, #tpu.memory_space<vmem>> -> memref<64xi32, #tpu.memory_space<vmem>>
    %dma_start3A_176 = arith.constant 0 : i32
    %dma_start3A_177 = arith.constant 0 : i32
    %dma_start3A_178 = tpu.memref_slice %arg10[%dma_start3A_176, %dma_start3A_177] : memref<10240x128xf32, #tpu.memory_space<vmem_shared>> -> memref<10240x128xf32, #tpu.memory_space<vmem_shared>>
    tpu.enqueue_indirect_dma source(%dma_start3A_178 : memref<10240x128xf32, #tpu.memory_space<vmem_shared>>) target(%dma_start3A_172 : memref<64x128xf32, #tpu.memory_space<vmem>>) offsets(%dma_start3A_175 : memref<64xi32, #tpu.memory_space<vmem>>) semaphore(%arg30 : memref<!tpu.dma_semaphore, #tpu.memory_space<semaphore_mem>>)
    %scan3A_179 = arith.constant 0 : i32
    %scan3A_180 = arith.constant 5 : i32
    %scan3A_181 = arith.addi %scan3A_179, %scan3A_180 : i32
    %scan3A_182 = arith.constant 1 : i32
    scf.for %scan3A_190 = %scan3A_179 to %scan3A_181 step %scan3A_182  : i32 {
      %mul3A_191 = arith.constant 1 : i32
      %mul3A_192 = arith.muli %scan3A_190, %mul3A_191 : i32
      %add3A_193 = arith.constant 0 : i32
      %add3A_194 = arith.addi %add3A_193, %mul3A_192 : i32
      %mul3A_195 = arith.constant 2 : i32
      %mul3A_196 = arith.muli %mul3A_195, %add3A_194 : i32
      %dma_wait3A_197 = arith.constant 0 : i32
      %dma_wait3A_198 = arith.constant 0 : i32
      %dma_wait3A_199 = arith.constant 0 : i32
      %dma_wait3A_200 = tpu.memref_slice %arg20[%dma_wait3A_198, %dma_wait3A_199] : memref<64x128xf32, #tpu.memory_space<vmem>> -> memref<64x128xf32, #tpu.memory_space<vmem>>
      %dma_wait3A_201 = arith.constant 0 : i32
      %dma_wait3A_202 = tpu.memref_slice %arg19[%dma_wait3A_197, %dma_wait3A_201] : memref<10x64xi32, #tpu.memory_space<vmem>> -> memref<1x64xi32, #tpu.memory_space<vmem>>
      %dma_wait3A_203 = tpu.memref_squeeze %dma_wait3A_202 : memref<1x64xi32, #tpu.memory_space<vmem>> -> memref<64xi32, #tpu.memory_space<vmem>>
      %dma_wait3A_204 = arith.constant 0 : i32
      %dma_wait3A_205 = arith.constant 0 : i32
      %dma_wait3A_206 = tpu.memref_slice %arg10[%dma_wait3A_204, %dma_wait3A_205] : memref<10240x128xf32, #tpu.memory_space<vmem_shared>> -> memref<10240x128xf32, #tpu.memory_space<vmem_shared>>
      tpu.wait_indirect_dma semaphore(%arg30 : memref<!tpu.dma_semaphore, #tpu.memory_space<semaphore_mem>>) src(%dma_wait3A_206 : memref<10240x128xf32, #tpu.memory_space<vmem_shared>>) dst(%dma_wait3A_200 : memref<64x128xf32, #tpu.memory_space<vmem>>)
      %mul3A_207 = arith.constant 640 : i32
      %mul3A_208 = arith.muli %arg1, %mul3A_207 : i32
      %mul3A_209 = arith.constant 64 : i32
      %mul3A_210 = arith.muli %mul3A_196, %mul3A_209 : i32
      %add3A_211 = arith.addi %mul3A_208, %mul3A_210 : i32
      %dma_start3A_212 = arith.constant 0 : i32
      %dma_start3A_213 = arith.constant 0 : i32
      %dma_start3A_214 = tpu.memref_slice %arg20[%dma_start3A_212, %dma_start3A_213] : memref<64x128xf32, #tpu.memory_space<vmem>> -> memref<64x128xf32, #tpu.memory_space<vmem>>
      %dma_start3A_215 = arith.constant 0 : i32
      %dma_start3A_216 = tpu.memref_slice %arg8[%arg0, %add3A_211, %dma_start3A_215] : memref<2x10240x128xf32, #tpu.memory_space<hbm>> -> memref<1x64x128xf32, #tpu.memory_space<hbm>>
      %dma_start3A_217 = tpu.memref_squeeze %dma_start3A_216 : memref<1x64x128xf32, #tpu.memory_space<hbm>> -> memref<64x128xf32, #tpu.memory_space<hbm>>
      %dma_start3A_218 = arith.constant 0 : i32
      %dma_start3A_219 = tpu.memref_slice %arg8[%arg0, %add3A_211, %dma_start3A_218] : memref<2x10240x128xf32, #tpu.memory_space<hbm>> -> memref<1x64x128xf32, #tpu.memory_space<hbm>>
      %dma_start3A_220 = tpu.memref_squeeze %dma_start3A_219 : memref<1x64x128xf32, #tpu.memory_space<hbm>> -> memref<64x128xf32, #tpu.memory_space<hbm>>
      %dma_start3A_221 = arith.constant 0 : i32
      %dma_start3A_222 = arith.constant 0 : i32
      %dma_start3A_223 = tpu.memref_slice %arg20[%dma_start3A_221, %dma_start3A_222] : memref<64x128xf32, #tpu.memory_space<vmem>> -> memref<64x128xf32, #tpu.memory_space<vmem>>
      tpu.enqueue_dma source(%dma_start3A_223 : memref<64x128xf32, #tpu.memory_space<vmem>>) target(%dma_start3A_220 : memref<64x128xf32, #tpu.memory_space<hbm>>) target_semaphore(%arg34 : memref<!tpu.dma_semaphore, #tpu.memory_space<semaphore_mem>>)
      %add3A_224 = arith.constant 1 : i32
      %add3A_225 = arith.addi %mul3A_196, %add3A_224 : i32
      %dma_start3A_226 = arith.constant 0 : i32
      %dma_start3A_227 = arith.constant 0 : i32
      %dma_start3A_228 = tpu.memref_slice %arg21[%dma_start3A_226, %dma_start3A_227] : memref<64x128xf32, #tpu.memory_space<vmem>> -> memref<64x128xf32, #tpu.memory_space<vmem>>
      %dma_start3A_229 = arith.constant 0 : i32
      %dma_start3A_230 = tpu.memref_slice %arg19[%add3A_225, %dma_start3A_229] : memref<10x64xi32, #tpu.memory_space<vmem>> -> memref<1x64xi32, #tpu.memory_space<vmem>>
      %dma_start3A_231 = tpu.memref_squeeze %dma_start3A_230 : memref<1x64xi32, #tpu.memory_space<vmem>> -> memref<64xi32, #tpu.memory_space<vmem>>
      %dma_start3A_232 = arith.constant 0 : i32
      %dma_start3A_233 = arith.constant 0 : i32
      %dma_start3A_234 = tpu.memref_slice %arg10[%dma_start3A_232, %dma_start3A_233] : memref<10240x128xf32, #tpu.memory_space<vmem_shared>> -> memref<10240x128xf32, #tpu.memory_space<vmem_shared>>
      tpu.enqueue_indirect_dma source(%dma_start3A_234 : memref<10240x128xf32, #tpu.memory_space<vmem_shared>>) target(%dma_start3A_228 : memref<64x128xf32, #tpu.memory_space<vmem>>) offsets(%dma_start3A_231 : memref<64xi32, #tpu.memory_space<vmem>>) semaphore(%arg31 : memref<!tpu.dma_semaphore, #tpu.memory_space<semaphore_mem>>)
      %dma_wait3A_235 = arith.constant 0 : i32
      %dma_wait3A_236 = arith.constant 0 : i32
      %dma_wait3A_237 = arith.constant 0 : i32
      %dma_wait3A_238 = tpu.memref_slice %arg21[%dma_wait3A_236, %dma_wait3A_237] : memref<64x128xf32, #tpu.memory_space<vmem>> -> memref<64x128xf32, #tpu.memory_space<vmem>>
      %dma_wait3A_239 = arith.constant 0 : i32
      %dma_wait3A_240 = tpu.memref_slice %arg19[%dma_wait3A_235, %dma_wait3A_239] : memref<10x64xi32, #tpu.memory_space<vmem>> -> memref<1x64xi32, #tpu.memory_space<vmem>>
      %dma_wait3A_241 = tpu.memref_squeeze %dma_wait3A_240 : memref<1x64xi32, #tpu.memory_space<vmem>> -> memref<64xi32, #tpu.memory_space<vmem>>
      %dma_wait3A_242 = arith.constant 0 : i32
      %dma_wait3A_243 = arith.constant 0 : i32
      %dma_wait3A_244 = tpu.memref_slice %arg10[%dma_wait3A_242, %dma_wait3A_243] : memref<10240x128xf32, #tpu.memory_space<vmem_shared>> -> memref<10240x128xf32, #tpu.memory_space<vmem_shared>>
      tpu.wait_indirect_dma semaphore(%arg31 : memref<!tpu.dma_semaphore, #tpu.memory_space<semaphore_mem>>) src(%dma_wait3A_244 : memref<10240x128xf32, #tpu.memory_space<vmem_shared>>) dst(%dma_wait3A_238 : memref<64x128xf32, #tpu.memory_space<vmem>>)
      %add3A_245 = arith.constant 1 : i32
      %add3A_246 = arith.addi %mul3A_196, %add3A_245 : i32
      %mul3A_247 = arith.constant 640 : i32
      %mul3A_248 = arith.muli %arg1, %mul3A_247 : i32
      %mul3A_249 = arith.constant 64 : i32
      %mul3A_250 = arith.muli %add3A_246, %mul3A_249 : i32
      %add3A_251 = arith.addi %mul3A_248, %mul3A_250 : i32
      %dma_start3A_252 = arith.constant 0 : i32
      %dma_start3A_253 = arith.constant 0 : i32
      %dma_start3A_254 = tpu.memref_slice %arg21[%dma_start3A_252, %dma_start3A_253] : memref<64x128xf32, #tpu.memory_space<vmem>> -> memref<64x128xf32, #tpu.memory_space<vmem>>
      %dma_start3A_255 = arith.constant 0 : i32
      %dma_start3A_256 = tpu.memref_slice %arg8[%arg0, %add3A_251, %dma_start3A_255] : memref<2x10240x128xf32, #tpu.memory_space<hbm>> -> memref<1x64x128xf32, #tpu.memory_space<hbm>>
      %dma_start3A_257 = tpu.memref_squeeze %dma_start3A_256 : memref<1x64x128xf32, #tpu.memory_space<hbm>> -> memref<64x128xf32, #tpu.memory_space<hbm>>
      %dma_start3A_258 = arith.constant 0 : i32
      %dma_start3A_259 = tpu.memref_slice %arg8[%arg0, %add3A_251, %dma_start3A_258] : memref<2x10240x128xf32, #tpu.memory_space<hbm>> -> memref<1x64x128xf32, #tpu.memory_space<hbm>>
      %dma_start3A_260 = tpu.memref_squeeze %dma_start3A_259 : memref<1x64x128xf32, #tpu.memory_space<hbm>> -> memref<64x128xf32, #tpu.memory_space<hbm>>
      %dma_start3A_261 = arith.constant 0 : i32
      %dma_start3A_262 = arith.constant 0 : i32
      %dma_start3A_263 = tpu.memref_slice %arg21[%dma_start3A_261, %dma_start3A_262] : memref<64x128xf32, #tpu.memory_space<vmem>> -> memref<64x128xf32, #tpu.memory_space<vmem>>
      tpu.enqueue_dma source(%dma_start3A_263 : memref<64x128xf32, #tpu.memory_space<vmem>>) target(%dma_start3A_260 : memref<64x128xf32, #tpu.memory_space<hbm>>) target_semaphore(%arg35 : memref<!tpu.dma_semaphore, #tpu.memory_space<semaphore_mem>>)
      %dma_wait3A_264 = arith.constant 0 : i32
      %dma_wait3A_265 = arith.constant 0 : i32
      %dma_wait3A_266 = tpu.memref_slice %arg20[%dma_wait3A_264, %dma_wait3A_265] : memref<64x128xf32, #tpu.memory_space<vmem>> -> memref<64x128xf32, #tpu.memory_space<vmem>>
      %dma_wait3A_267 = arith.constant 0 : i32
      %dma_wait3A_268 = arith.constant 0 : i32
      %dma_wait3A_269 = tpu.memref_slice %arg8[%arg0, %dma_wait3A_267, %dma_wait3A_268] : memref<2x10240x128xf32, #tpu.memory_space<hbm>> -> memref<1x64x128xf32, #tpu.memory_space<hbm>>
      %dma_wait3A_270 = tpu.memref_squeeze %dma_wait3A_269 : memref<1x64x128xf32, #tpu.memory_space<hbm>> -> memref<64x128xf32, #tpu.memory_space<hbm>>
      %dma_wait3A_271 = arith.constant 0 : i32
      %dma_wait3A_272 = arith.constant 0 : i32
      %dma_wait3A_273 = tpu.memref_slice %arg8[%arg0, %dma_wait3A_271, %dma_wait3A_272] : memref<2x10240x128xf32, #tpu.memory_space<hbm>> -> memref<1x64x128xf32, #tpu.memory_space<hbm>>
      %dma_wait3A_274 = tpu.memref_squeeze %dma_wait3A_273 : memref<1x64x128xf32, #tpu.memory_space<hbm>> -> memref<64x128xf32, #tpu.memory_space<hbm>>
      %dma_wait3A_275 = arith.constant 0 : i32
      %dma_wait3A_276 = arith.constant 0 : i32
      %dma_wait3A_277 = tpu.memref_slice %arg20[%dma_wait3A_275, %dma_wait3A_276] : memref<64x128xf32, #tpu.memory_space<vmem>> -> memref<64x128xf32, #tpu.memory_space<vmem>>
      tpu.wait_dma2 semaphore(%arg34 : memref<!tpu.dma_semaphore, #tpu.memory_space<semaphore_mem>>) src(%dma_wait3A_277 : memref<64x128xf32, #tpu.memory_space<vmem>>) dst(%dma_wait3A_274 : memref<64x128xf32, #tpu.memory_space<hbm>>)
      %add3A_278 = arith.constant 2 : i32
      %add3A_279 = arith.addi %mul3A_196, %add3A_278 : i32
      %lt3A_280 = arith.constant 10 : i32
      %lt3A_281 = arith.cmpi slt, %add3A_279, %lt3A_280 : i32
      %convert_element_type3A_282 = arith.extui %lt3A_281 : i1 to i32
      %cond3A_283 = arith.constant 0 : i32
      %cond3A_284 = arith.cmpi ne, %convert_element_type3A_282, %cond3A_283 : i32
      scf.if %cond3A_284 {
        %add3A_299 = arith.constant 2 : i32
        %add3A_300 = arith.addi %mul3A_196, %add3A_299 : i32
        %dma_start3A_301 = arith.constant 0 : i32
        %dma_start3A_302 = arith.constant 0 : i32
        %dma_start3A_303 = tpu.memref_slice %arg20[%dma_start3A_301, %dma_start3A_302] : memref<64x128xf32, #tpu.memory_space<vmem>> -> memref<64x128xf32, #tpu.memory_space<vmem>>
        %dma_start3A_304 = arith.constant 0 : i32
        %dma_start3A_305 = tpu.memref_slice %arg19[%add3A_300, %dma_start3A_304] : memref<10x64xi32, #tpu.memory_space<vmem>> -> memref<1x64xi32, #tpu.memory_space<vmem>>
        %dma_start3A_306 = tpu.memref_squeeze %dma_start3A_305 : memref<1x64xi32, #tpu.memory_space<vmem>> -> memref<64xi32, #tpu.memory_space<vmem>>
        %dma_start3A_307 = arith.constant 0 : i32
        %dma_start3A_308 = arith.constant 0 : i32
        %dma_start3A_309 = tpu.memref_slice %arg10[%dma_start3A_307, %dma_start3A_308] : memref<10240x128xf32, #tpu.memory_space<vmem_shared>> -> memref<10240x128xf32, #tpu.memory_space<vmem_shared>>
        tpu.enqueue_indirect_dma source(%dma_start3A_309 : memref<10240x128xf32, #tpu.memory_space<vmem_shared>>) target(%dma_start3A_303 : memref<64x128xf32, #tpu.memory_space<vmem>>) offsets(%dma_start3A_306 : memref<64xi32, #tpu.memory_space<vmem>>) semaphore(%arg30 : memref<!tpu.dma_semaphore, #tpu.memory_space<semaphore_mem>>)
      } else {
      }
      %dma_wait3A_285 = arith.constant 0 : i32
      %dma_wait3A_286 = arith.constant 0 : i32
      %dma_wait3A_287 = tpu.memref_slice %arg21[%dma_wait3A_285, %dma_wait3A_286] : memref<64x128xf32, #tpu.memory_space<vmem>> -> memref<64x128xf32, #tpu.memory_space<vmem>>
      %dma_wait3A_288 = arith.constant 0 : i32
      %dma_wait3A_289 = arith.constant 0 : i32
      %dma_wait3A_290 = tpu.memref_slice %arg8[%arg0, %dma_wait3A_288, %dma_wait3A_289] : memref<2x10240x128xf32, #tpu.memory_space<hbm>> -> memref<1x64x128xf32, #tpu.memory_space<hbm>>
      %dma_wait3A_291 = tpu.memref_squeeze %dma_wait3A_290 : memref<1x64x128xf32, #tpu.memory_space<hbm>> -> memref<64x128xf32, #tpu.memory_space<hbm>>
      %dma_wait3A_292 = arith.constant 0 : i32
      %dma_wait3A_293 = arith.constant 0 : i32
      %dma_wait3A_294 = tpu.memref_slice %arg8[%arg0, %dma_wait3A_292, %dma_wait3A_293] : memref<2x10240x128xf32, #tpu.memory_space<hbm>> -> memref<1x64x128xf32, #tpu.memory_space<hbm>>
      %dma_wait3A_295 = tpu.memref_squeeze %dma_wait3A_294 : memref<1x64x128xf32, #tpu.memory_space<hbm>> -> memref<64x128xf32, #tpu.memory_space<hbm>>
      %dma_wait3A_296 = arith.constant 0 : i32
      %dma_wait3A_297 = arith.constant 0 : i32
      %dma_wait3A_298 = tpu.memref_slice %arg21[%dma_wait3A_296, %dma_wait3A_297] : memref<64x128xf32, #tpu.memory_space<vmem>> -> memref<64x128xf32, #tpu.memory_space<vmem>>
      tpu.wait_dma2 semaphore(%arg35 : memref<!tpu.dma_semaphore, #tpu.memory_space<semaphore_mem>>) src(%dma_wait3A_298 : memref<64x128xf32, #tpu.memory_space<vmem>>) dst(%dma_wait3A_295 : memref<64x128xf32, #tpu.memory_space<hbm>>)
    }
    %scan3A_183 = arith.constant 5 : i32
    %dma_wait3A_184 = arith.constant 0 : i32
    %dma_wait3A_185 = tpu.memref_slice %arg9[%arg0, %arg1, %dma_wait3A_184] : memref<2x16x10240xf32, #tpu.memory_space<hbm>> -> memref<1x1x10240xf32, #tpu.memory_space<hbm>>
    %dma_wait3A_186 = tpu.memref_squeeze %dma_wait3A_185 : memref<1x1x10240xf32, #tpu.memory_space<hbm>> -> memref<10240xf32, #tpu.memory_space<hbm>>
    %dma_wait3A_187 = arith.constant 0 : i32
    %dma_wait3A_188 = tpu.memref_slice %arg9[%arg0, %arg1, %dma_wait3A_187] : memref<2x16x10240xf32, #tpu.memory_space<hbm>> -> memref<1x1x10240xf32, #tpu.memory_space<hbm>>
    %dma_wait3A_189 = tpu.memref_squeeze %dma_wait3A_188 : memref<1x1x10240xf32, #tpu.memory_space<hbm>> -> memref<10240xf32, #tpu.memory_space<hbm>>
    tpu.wait_dma2 semaphore(%arg25 : memref<!tpu.dma_semaphore, #tpu.memory_space<semaphore_mem>>) src(%arg24 : memref<10240xf32, #tpu.memory_space<vmem>>) dst(%dma_wait3A_189 : memref<10240xf32, #tpu.memory_space<hbm>>)
    return
  }
}

module attributes {stable_mosaic.version = 14 : i64} {
  func.func @body(%arg0: i32, %arg1: memref<1024x128xf32, #tpu.memory_space<vmem>>, %arg2: memref<2x1024x128xf32, #tpu.memory_space<vmem>>, %arg3: memref<32x1024xf32, #tpu.memory_space<vmem>>, %arg4: memref<128x128xf32, #tpu.memory_space<vmem>>, %arg5: memref<1024x128xf32, #tpu.memory_space<vmem>>) attributes {dimension_semantics = [#tpu.dimension_semantics<arbitrary>], iteration_bounds = array<i64: 10>, scalar_prefetch = 0 : i64, scratch_operands = 0 : i64, tpu.core_type = #tpu.core_type<tc>, window_params = [{transform_indices = @transform_0, window_bounds = array<i64: 1024, 128>}, {transform_indices = @transform_1, window_bounds = array<i64: 2, 1024, 128>}, {transform_indices = @transform_2, window_bounds = array<i64: 32, 1024>}, {pipeline_mode = #tpu.pipeline_mode<synchronous>, transform_indices = @transform_3, window_bounds = array<i64: 128, 128>}, {transform_indices = @transform_4, window_bounds = array<i64: 1024, 128>}]} {
    %get3A = arith.constant 0 : index
    %get3A_0 = arith.constant 0 : index
    %get3A_1 = vector.load %arg3[%get3A, %get3A_0] : memref<32x1024xf32, #tpu.memory_space<vmem>>, vector<32x1024xf32>
    %reduce_sum3A = arith.constant dense<0.000000e+00> : vector<1024xf32>
    %reduce_sum3A_2 = vector.multi_reduction <add>, %get3A_1, %reduce_sum3A [0] : vector<32x1024xf32> to vector<1024xf32>
    %broadcast_in_dim3A = vector.shape_cast %reduce_sum3A_2 : vector<1024xf32> to vector<1024x1xf32>
    %get3A_3 = arith.constant 0 : index
    %get3A_4 = arith.constant 0 : index
    %get3A_5 = arith.constant 0 : index
    %get3A_6 = vector.load %arg2[%get3A_3, %get3A_4, %get3A_5] : memref<2x1024x128xf32, #tpu.memory_space<vmem>>, vector<1x1024x128xf32>
    %get3A_7 = vector.shape_cast %get3A_6 : vector<1x1024x128xf32> to vector<1024x128xf32>
    %get3A_8 = arith.constant 1 : index
    %get3A_9 = arith.constant 0 : index
    %get3A_10 = arith.constant 0 : index
    %get3A_11 = vector.load %arg2[%get3A_8, %get3A_9, %get3A_10] : memref<2x1024x128xf32, #tpu.memory_space<vmem>>, vector<1x1024x128xf32>
    %get3A_12 = vector.shape_cast %get3A_11 : vector<1x1024x128xf32> to vector<1024x128xf32>
    %add3A = arith.addf %get3A_7, %get3A_12 : vector<1024x128xf32>
    %get3A_13 = arith.constant 0 : index
    %get3A_14 = arith.constant 0 : index
    %get3A_15 = vector.load %arg4[%get3A_13, %get3A_14] : memref<128x128xf32, #tpu.memory_space<vmem>>, vector<128x128xf32>
    %dot_general3A = arith.constant dense<0.000000e+00> : vector<1024x128xf32>
    %dot_general3A_16 = tpu.matmul %add3A, %get3A_15, %dot_general3A {dimension_numbers = #tpu.dot_dimension_numbers<[1], [0], [0], [1], [0, 0, 1, 1], [], []>, transpose_lhs_hint = false} : vector<1024x128xf32>, vector<128x128xf32>, vector<1024x128xf32> -> vector<1024x128xf32>
    %get3A_17 = arith.constant 0 : index
    %get3A_18 = arith.constant 0 : index
    %get3A_19 = vector.load %arg1[%get3A_17, %get3A_18] : memref<1024x128xf32, #tpu.memory_space<vmem>>, vector<1024x128xf32>
    %mul3A = vector.broadcast %broadcast_in_dim3A : vector<1024x1xf32> to vector<1024x128xf32>
    %mul3A_20 = arith.mulf %mul3A, %get3A_19 : vector<1024x128xf32>
    %add3A_21 = arith.addf %mul3A_20, %dot_general3A_16 : vector<1024x128xf32>
    %max3A = arith.constant 1.000000e+00 : f32
    %max3A_22 = vector.broadcast %max3A : f32 to vector<1024x1xf32>
    %max3A_23 = arith.maximumf %broadcast_in_dim3A, %max3A_22 : vector<1024x1xf32>
    %div3A = vector.broadcast %max3A_23 : vector<1024x1xf32> to vector<1024x128xf32>
    %div3A_24 = arith.divf %add3A_21, %div3A : vector<1024x128xf32>
    %swap3A = arith.constant 0 : index
    %swap3A_25 = arith.constant 0 : index
    %swap3A_26 = vector.load %arg5[%swap3A, %swap3A_25] : memref<1024x128xf32, #tpu.memory_space<vmem>>, vector<1024x128xf32>
    tpu.vector_store %arg5[%swap3A, %swap3A_25], %div3A_24 {strides = array<i32>} : memref<1024x128xf32, #tpu.memory_space<vmem>>, vector<1024x128xf32>,
    return
  }
  func.func @transform_0(%arg0: i32) -> (i32, i32) {
    %c0_i32 = arith.constant 0 : i32
    %c0_i32_0 = arith.constant 0 : i32
    return %arg0, %c0_i32 : i32, i32
  }
  func.func @transform_1(%arg0: i32) -> (i32, i32, i32) {
    %c0_i32 = arith.constant 0 : i32
    %c0_i32_0 = arith.constant 0 : i32
    %c0_i32_1 = arith.constant 0 : i32
    return %c0_i32, %arg0, %c0_i32_0 : i32, i32, i32
  }
  func.func @transform_2(%arg0: i32) -> (i32, i32) {
    %c0_i32 = arith.constant 0 : i32
    %c0_i32_0 = arith.constant 0 : i32
    return %c0_i32, %arg0 : i32, i32
  }
  func.func @transform_3(%arg0: i32) -> (i32, i32) {
    %c0_i32 = arith.constant 0 : i32
    %c0_i32_0 = arith.constant 0 : i32
    %c0_i32_1 = arith.constant 0 : i32
    return %c0_i32, %c0_i32_0 : i32, i32
  }
  func.func @transform_4(%arg0: i32) -> (i32, i32) {
    %c0_i32 = arith.constant 0 : i32
    %c0_i32_0 = arith.constant 0 : i32
    return %arg0, %c0_i32 : i32, i32
  }
}

module attributes {stable_mosaic.version = 14 : i64} {
  func.func @body(%arg0: i32, %arg1: memref<1024x128xf32, #tpu.memory_space<vmem>>, %arg2: memref<128x128xf32, #tpu.memory_space<vmem>>, %arg3: memref<1x128xf32, #tpu.memory_space<vmem>>, %arg4: memref<1024x128xf32, #tpu.memory_space<vmem>>) attributes {dimension_semantics = [#tpu.dimension_semantics<arbitrary>], iteration_bounds = array<i64: 10>, scalar_prefetch = 0 : i64, scratch_operands = 0 : i64, tpu.core_type = #tpu.core_type<tc>, window_params = [{transform_indices = @transform_0, window_bounds = array<i64: 1024, 128>}, {pipeline_mode = #tpu.pipeline_mode<synchronous>, transform_indices = @transform_1, window_bounds = array<i64: 128, 128>}, {pipeline_mode = #tpu.pipeline_mode<synchronous>, transform_indices = @transform_2, window_bounds = array<i64: 1, 128>}, {transform_indices = @transform_3, window_bounds = array<i64: 1024, 128>}]} {
    %get3A = arith.constant 0 : index
    %get3A_0 = arith.constant 0 : index
    %get3A_1 = vector.load %arg1[%get3A, %get3A_0] : memref<1024x128xf32, #tpu.memory_space<vmem>>, vector<1024x128xf32>
    %get3A_2 = arith.constant 0 : index
    %get3A_3 = arith.constant 0 : index
    %get3A_4 = vector.load %arg2[%get3A_2, %get3A_3] : memref<128x128xf32, #tpu.memory_space<vmem>>, vector<128x128xf32>
    %dot_general3A = arith.constant dense<0.000000e+00> : vector<1024x128xf32>
    %dot_general3A_5 = tpu.matmul %get3A_1, %get3A_4, %dot_general3A {dimension_numbers = #tpu.dot_dimension_numbers<[1], [0], [0], [1], [0, 0, 1, 1], [], []>, transpose_lhs_hint = false} : vector<1024x128xf32>, vector<128x128xf32>, vector<1024x128xf32> -> vector<1024x128xf32>
    %get3A_6 = arith.constant 0 : index
    %get3A_7 = arith.constant 0 : index
    %get3A_8 = vector.load %arg3[%get3A_6, %get3A_7] : memref<1x128xf32, #tpu.memory_space<vmem>>, vector<1x128xf32>
    %add3A = vector.broadcast %get3A_8 : vector<1x128xf32> to vector<1024x128xf32>
    %add3A_9 = arith.addf %dot_general3A_5, %add3A : vector<1024x128xf32>
    %swap3A = arith.constant 0 : index
    %swap3A_10 = arith.constant 0 : index
    %swap3A_11 = vector.load %arg4[%swap3A, %swap3A_10] : memref<1024x128xf32, #tpu.memory_space<vmem>>, vector<1024x128xf32>
    tpu.vector_store %arg4[%swap3A, %swap3A_10], %add3A_9 {strides = array<i32>} : memref<1024x128xf32, #tpu.memory_space<vmem>>, vector<1024x128xf32>,
    return
  }
  func.func @transform_0(%arg0: i32) -> (i32, i32) {
    %c0_i32 = arith.constant 0 : i32
    %c0_i32_0 = arith.constant 0 : i32
    return %arg0, %c0_i32 : i32, i32
  }
  func.func @transform_1(%arg0: i32) -> (i32, i32) {
    %c0_i32 = arith.constant 0 : i32
    %c0_i32_0 = arith.constant 0 : i32
    %c0_i32_1 = arith.constant 0 : i32
    return %c0_i32, %c0_i32_0 : i32, i32
  }
  func.func @transform_2(%arg0: i32) -> (i32, i32) {
    %c0_i32 = arith.constant 0 : i32
    %c0_i32_0 = arith.constant 0 : i32
    %c0_i32_1 = arith.constant 0 : i32
    return %c0_i32, %c0_i32_0 : i32, i32
  }
  func.func @transform_3(%arg0: i32) -> (i32, i32) {
    %c0_i32 = arith.constant 0 : i32
    %c0_i32_0 = arith.constant 0 : i32
    return %arg0, %c0_i32 : i32, i32
  }
}

</mosaic_0001>

<sc_bundles>
// kernel: kernel.5.cloned.1.call-start
scs
__scs_entry_jumppad:
0x0: {  	(pc) =	sbr.rel $0x88, $3  }
0x1: {  	(tag) =	ssettag $0x0;
	lr =	simm.s32 $0x1  }
0x2: {  	[smem:$0x3F9C] =	sst lr;
	_ =	strace $0xD0000000  }
0x3: {  	_ = 	snop  }
0x4: {  	_ = 	snop  }
0x5: {  	_ = 	snop  }
0x6: {  	_ = 	snop  }
0x7: {  	_ = 	snop  }
__scs_overlays_trampoline_lowered:
0x8: {  	[smem:$0x3FAB] =	sst s0  }
0x9: {  	[smem:$0x3FAC] =	sst s1  }
0xa: {  	[smem:$0x3FAD] =	sst s2  }
0xb: {  	[smem:$0x3FAE] =	sst s3  }
0xc: {  	[smem:$0x3FAF] =	sst s4  }
0xd: {  	[smem:$0x3FB0] =	sst s5  }
0xe: {  	[smem:$0x3FB1] =	sst s6  }
0xf: {  	[smem:$0x3FB2] =	sst s7  }
0x10: {  	[smem:$0x3FB3] =	sst s8  }
0x11: {  	[smem:$0x3FB4] =	sst s9;
	s0 =	simm.s32 @!p0 $0x0  }
0x12: {  	s1 =	sld [smem:$0x3F9A];
	s0 =	simm.s32 @p0 $0x1  }
0x13: {  	[smem:$0x3FB5] =	sst s0;
	s0 =	simm.s32 @!p1 $0x0  }
0x14: {  	s2 =	sld [smem:$0x3F99];
	s0 =	simm.s32 @p1 $0x1  }
0x15: {  	[smem:$0x3FB6] =	sst s0;
	s0 =	simm.s32 @!p2 $0x0  }
0x16: {  	s3 =	sld [smem:$0x3FDB];
	s0 =	simm.s32 @p2 $0x1  }
0x17: {  	s4 =	simm.s32 $0x1BF5;
	[smem:$0x3FB8] =	sst s0  }
0x18: {  	s0 =	sld [smem:$0x3F9B];
	_ =	swait.ge [sflag:s4], $0x0  }
0x19: {  	s7 =	sld [smem:$0x3F9C]  }
0x1a: {  	s8 =	sadd.s32 $0xFFFFE003, lr  }
0x1b: {  	s9 =	sadd.s32 $0xFFFFFEF7, lr;
	s5 =	simm.s32 $0xFFFFFFFF;
	p2 =	slt.u32 s8, $0xFFFFF086  }
0x1c: {  	p1 =	slt.u32 s9, $0xF7A;
	s5 =	simm.s32 @!p2 $0x0  }
0x1d: {  	s5 =	simm.s32 @p1 $0x1;
	p0 =	seq.s32 s7, s2  }
0x1e: {  	s7 =	smul.u32 @!p0 $0xF7A, s2;
	p2 =	seq.s32 @!p0 s5, $0x0  }
0x1f: {  	s9 =	smul.u32 $0xF7A, s1;
	s8 =	simm.s32 @!p0 $0x1BF5;
	p2 =	por !p2, p0  }
0x20: {  	[sflag:s8] =	ssyncset.s32 @!p0 $0xFFFFF086;
	s6 =	sadd.s32 @!p0 s3, s7;
	s7 =	simm.s32 @!p0 $0x108  }
0x21: {  	s3 =	sadd.s32 s3, s9;
	s6 =	sadd.s32 @!p0 $0x88, s6;
	s7 =	simm.s32 @p2 $0x1082  }
0x22: {  	[simem:s7], [sflag:s8] =	dma.local @!p0 [hbm:s6], $0xF7A  }
0x23: {  	s9 =	sor.u32 $0xD0000000, s2;
	s6 =	simm.s32 $0x108;
	_ =	swait.ge @!p0 [sflag:s8], $0x0  }
0x24: {  	s3 =	sadd.s32 $0x88, s3;
	s6 =	simm.s32 @!p1 $0x1082;
	[sflag:s4] =	ssyncset.s32 $0xFFFFF086  }
0x25: {  	[simem:s6], [sflag:s4] =	dma.local [hbm:s3], $0xF7A  }
0x26: {  	[smem:$0x3F9C] =	sst s1;
	(tag) =	ssettag s2;
	_ =	strace s9  }
0x27: {  	s1 =	sld [smem:$0x3FAC]  }
0x28: {  	s2 =	sld [smem:$0x3FAD]  }
0x29: {  	s4 =	sld [smem:$0x3FAF]  }
0x2a: {  	p0 =	seq.s32 s5, $0x0;
	s5 =	sld [smem:$0x3FB0]  }
0x2b: {  	s6 =	sld [smem:$0x3FB1]  }
0x2c: {  	s7 =	sld [smem:$0x3FB2]  }
0x2d: {  	s3 =	simm.s32 $0x108;
	s8 =	sld [smem:$0x3FB3]  }
0x2e: {  	s3 =	simm.s32 @!p0 $0x1082;
	s9 =	sld [smem:$0x3FB4]  }
0x2f: {  	lr =	sadd.s32 s0, s3;
	s0 =	sld [smem:$0x3FAB]  }
0x30: {  	s3 =	sld [smem:$0x3FAE]  }
0x31: {  	[smem:$0x3FB7] =	sst s10  }
0x32: {  	s10 =	sld [smem:$0x3FB5];
	_ =	sdelay $0x3  }
0x33: {  	p0 =	seq.s32 s10, $0x1;
	s10 =	sld [smem:$0x3FB7];
	_ =	sdelay $0x3  }
0x34: {  	[smem:$0x3FB7] =	sst s10  }
0x35: {  	s10 =	sld [smem:$0x3FB6];
	_ =	sdelay $0x3  }
0x36: {  	p1 =	seq.s32 s10, $0x1;
	s10 =	sld [smem:$0x3FB7];
	_ =	sdelay $0x3  }
0x37: {  	[smem:$0x3FB7] =	sst s10  }
0x38: {  	s10 =	sld [smem:$0x3FB8]  }
0x39: {  	_ = 	snop;
	(pc) =	sbr.ind lr, $3  }
0x3a: {  	_ = 	snop  }
0x3b: {  	_ = 	snop  }
0x3c: {  	p2 =	seq.s32 s10, $0x1;
	s10 =	sld [smem:$0x3FB7]  }
0x3d: {  	_ =	shalt  }
0x3e: {  	_ =	shalt  }
0x3f: {  	_ =	shalt  }
0x40: {  	_ =	shalt  }
0x41: {  	_ =	shalt  }
0x42: {  	_ =	shalt  }
0x43: {  	_ =	shalt  }
0x44: {  	_ =	shalt  }
0x45: {  	_ =	shalt  }
0x46: {  	_ =	shalt  }
0x47: {  	_ =	shalt  }
0x48: {  	_ =	shalt  }
0x49: {  	_ =	shalt  }
0x4a: {  	_ =	shalt  }
0x4b: {  	_ =	shalt  }
0x4c: {  	_ =	shalt  }
0x4d: {  	_ =	shalt  }
0x4e: {  	_ =	shalt  }
0x4f: {  	_ =	shalt  }
0x50: {  	_ =	shalt  }
0x51: {  	_ =	shalt  }
0x52: {  	_ =	shalt  }
0x53: {  	_ =	shalt  }
0x54: {  	_ =	shalt  }
0x55: {  	_ =	shalt  }
0x56: {  	_ =	shalt  }
0x57: {  	_ =	shalt  }
0x58: {  	_ =	shalt  }
0x59: {  	_ =	shalt  }
0x5a: {  	_ =	shalt  }
0x5b: {  	_ =	shalt  }
0x5c: {  	_ =	shalt  }
0x5d: {  	_ =	shalt  }
0x5e: {  	_ =	shalt  }
0x5f: {  	_ =	shalt  }
0x60: {  	_ =	shalt  }
0x61: {  	_ =	shalt  }
0x62: {  	_ =	shalt  }
0x63: {  	_ =	shalt  }
0x64: {  	_ =	shalt  }
0x65: {  	_ =	shalt  }
0x66: {  	_ =	shalt  }
0x67: {  	_ =	shalt  }
0x68: {  	_ =	shalt  }
0x69: {  	_ =	shalt  }
0x6a: {  	_ =	shalt  }
0x6b: {  	_ =	shalt  }
0x6c: {  	_ =	shalt  }
0x6d: {  	_ =	shalt  }
0x6e: {  	_ =	shalt  }
0x6f: {  	_ =	shalt  }
0x70: {  	_ =	shalt  }
0x71: {  	_ =	shalt  }
0x72: {  	_ =	shalt  }
0x73: {  	_ =	shalt  }
0x74: {  	_ =	shalt  }
0x75: {  	_ =	shalt  }
0x76: {  	_ =	shalt  }
0x77: {  	_ =	shalt  }
0x78: {  	_ =	shalt  }
0x79: {  	_ =	shalt  }
0x7a: {  	_ =	shalt  }
0x7b: {  	_ =	shalt  }
0x7c: {  	_ =	shalt  }
0x7d: {  	_ =	shalt  }
0x7e: {  	_ =	shalt  }
0x7f: {  	_ =	shalt  }
0x80: {  	_ =	shalt  }
0x81: {  	_ =	shalt  }
0x82: {  	_ =	shalt  }
0x83: {  	_ =	shalt  }
0x84: {  	_ =	shalt  }
0x85: {  	_ =	shalt  }
0x86: {  	_ =	shalt  }
0x87: {  	_ =	shalt  }
.Lfunc_end0:
.L_simem_size_0:
called_computation_lowered:
.L_overlay_start_0:
0x88: {  	s2 =	sld [smem:$0x3FD9]  }
0x89: {  	s3 =	sld [smem:$0x3FFE];
	_ =	sdelay $0x1  }
0x8a: {  	s1 =	srdreg.scid  }
0x8b: {  	s0 =	sand.u32 $0x1, s1  }
0x8c: {  	s17 =	sshll.u32 s0, $0xA;
	s2 =	sadd.s32 s3, s2  }
0x8d: {  	s2 =	sadd.s32 s2, s17  }
0x8e: {  	[smem:$0x3FC3] =	sst s2  }
0x8f: {  	_ = 	snop  }
0x90: {  	s2 =	sld [smem:$0x3FC9]  }
0x91: {  	s18 =	sld [smem:$0x3FD0];
	(tm) =	ssettm $0x1  }
0x92: {  	s4 =	sld [smem:$0x3FFB];
	_ =	sdelay $0x3  }
0x93: {  	_ =	strace s4  }
0x94: {  	s4 =	sld [smem:$0x3FFC];
	_ =	sdelay $0x3  }
0x95: {  	_ =	strace s4  }
0x96: {  	s4 =	sld [smem:$0x3FFD];
	_ =	sdelay $0x3  }
0x97: {  	_ =	strace s4  }
0x98: {  	_ =	strace $0x8FFFFFFF  }
0x99: {  	s19 =	sld [smem:$0x3FDB];
	_ =	sdelay $0x1  }
0x9a: {  	s5 =	simm.s32 $_scs_section_size  }
0x9b: {  	s6 =	simm.s32 $_size__tile_overlayer_lowered;
	s7 =	simm.s32 $_tile_overlayer_lowered  }
0x9c: {  	s22 =	simm.s32 $0x1BFF;
	s21 =	sshll.u32 s7, $0x1;
	s4 =	sadd.s32 s5, s19  }
0x9d: {  	s8 =	simm.s32 $0x0;
	s20 =	sshll.u32 s6, $0x1;
	s6 =	sadd.s32 s21, s4  }
0x9e: {  	[timem:s8], [sflag:s22] =	dma.local [hbm:s6], s20  }
0x9f: {  	_ =	swait.ge [sflag:s22], s20  }
0xa0: {  	s5 =	ssub.s32 $0x0, s20;
	[sflag:s22] =	ssyncset.done $0x0  }
0xa1: {  	[sflag:s22] =	ssyncadd.s32 s5;
	_ =	sdelay $0x1  }
0xa2: {  	s23 =	simm.s32 $0x1B8B  }
0xa3: {  	_ =	swait.ge [sflag:s23], $0x1  }
0xa4: {  	[sflag:s23] =	ssyncset.done $0x0  }
0xa5: {  	s25 =	simm.s32 $0x1B8E;
	s24 =	sld [smem:$0x3FFE];
	[sflag:s23] =	ssyncadd.s32 $0xFFFFFFFF  }
0xa6: {  	s26 =	simm.s32 $execute0_lowered;
	[smem:$0x3FD2] =	sst s25  }
0xa7: {  	s6 =	sshll.u32 s26, $0x1;
	_ =	strace $0x80000046;
	[dreg:$0x1] =	wrdreg $0xFFFFFFFF  }
0xa8: {  	s28 =	simm.s32 $_size_execute0_lowered;
	s4 =	sadd.s32 s4, s6;
	[dreg:$0x0] =	wrdreg $0x0  }
0xa9: {  	s6 =	sshll.u32 s28, $0x1;
	[dreg:$0x2] =	wrdreg s4  }
0xaa: {  	[dreg:$0x3] =	wrdreg s6  }
0xab: {  	[dreg:$0x4] =	wrdreg $0xC0  }
0xac: {  	_ =	task [dreg:s8], $0x5FFFF  }
0xad: {  	[dreg:$0x1] =	wrdreg $0xFFFFFFFF  }
0xae: {  	[dreg:$0x0] =	wrdreg $0x60  }
0xaf: {  	[dreg:$0x2] =	wrdreg s2  }
0xb0: {  	[dreg:$0x3] =	wrdreg s24  }
0xb1: {  	[dreg:$0x4] =	wrdreg s18  }
0xb2: {  	[dreg:$0x5] =	wrdreg $0x0  }
0xb3: {  	[dreg:$0x6] =	wrdreg $0x9  }
0xb4: {  	_ =	task.clear_ibuf [dreg:s8], $0x7FFFF;
	_ =	strace $0x90000046  }
0xb5: {  	s29 =	simm.s32 $0x9;
	_ =	strace $0x80000048  }
0xb6: {  	_ =	swait.ge [sflag:s29], $0x1  }
0xb7: {  	[sflag:s29] =	ssyncadd.s32 $0xFFFFFFFF  }
0xb8: {  	_ =	strace $0x90000048  }
0xb9: {  	_ =	sfence  }
0xba: {  	s30 =	sld [smem:$0x0];
	_ =	sdelay $0x2  }
0xbb: {  	s31 =	sshll.u32 s1, $0xD;
	s1 =	sshrl.u32 s1, $0x2  }
0xbc: {  	s3 =	sand.u32 $0x4000, s31;
	s1 =	sadd.s32 s1, s30  }
0xbd: {  	s0 =	sor.u32 s3, s0;
	s1 =	sshll.u32 s1, $0x11  }
0xbe: {  	s0 =	sor.u32 s1, s0  }
0xbf: {  	s0 =	sadd.s32 $0x8F2B, s0  }
0xc0: {  	[sflag:s0] =	ssyncadd.remote.s32 $0x1  }
0xc1: {  	_ =	sfence.sel $0xFFFF  }
0xc2: {  	[dreg:$0x0] =	wrdreg $0xFFFFFFFF;
	(pc) =	sbr.abs _section_cstart, $3  }
0xc3: {  	[dreg:$0x1] =	wrdreg $0xFFFFFFFF  }
0xc4: {  	_ =	task.clear_ibuf [dreg:s8], $0x2FFFF;
	_ =	strace $0x9FFFFFFF  }
0xc5: {  	(tm) =	ssettm $0x7FFFFFFF  }
tec
execute0_lowered:
.L_overlay_start_1:
0x0: {  	(tag) =	ssettag $0x1  }
0x1: {  	s1 =	rddreg [dreg:$0x0]  }
0x2: {  	s0 =	rddreg [dreg:$0x1]  }
0x3: {  	s4 =	rddreg [dreg:$0x2]  }
0x4: {  	s2 =	rddreg [dreg:$0x3];
	s3 =	simm.s32 $0x0;
	s5 =	srdreg.scid  }
0x5: {  	s14 =	stileid.u32;
	s29 =	simm.s32 $0x14580;
	s30 =	simm.s32 $0x2  }
0x6: {  	s31 =	simm.s32 $0x4;
	[smem:$0x7FF] =	sst s3;
	s5 =	sand.u32 $0x1, s5  }
0x7: {  	s7 =	sadd.s32 $0xC000, s0;
	s8 =	sshll.u32 s14, $0x8;
	s9 =	smul.u32 $0x14000, s14  }
0x8: {  	s10 =	sadd.s32 $0x2200, s0;
	s12 =	sadd.s32 $0x15E00, s0;
	s13 =	sadd.s32 $0x16200, s0  }
0x9: {  	s23 =	sshrl.u32 s14, $0x3;
	s25 =	sshll.u32 s14, $0x7;
	s6 =	smul.u32 $0x140000, s5  }
0xa: {  	_ =	strace $0x80000047;
	s8 =	sadd.s32 s8, s0;
	s22 =	smul.u32 $0x28000, s5  }
0xb: {  	s11 =	sshll.u32 s5, $0x4;
	[dreg:$0x6] =	wrdreg s13;
	s13 =	smul.u32 $0x14000, s23  }
0xc: {  	[dreg:$0x5] =	wrdreg s12;
	s26 =	ssub.s32 $0x2, s5;
	s5 =	smul.u32 $0x4E00, s5  }
0xd: {  	s8 =	sadd.s32 $0x1200, s8;
	s6 =	sadd.s32 s9, s6;
	s9 =	sor.u32 s14, s11  }
0xe: {  	s15 =	sshrl.u32 s26, $0x1;
	[dreg:$0x7] =	wrdreg s8;
	s28 =	smul.u32 $0x4E0, s9  }
0xf: {  	s12 =	sadd.s32 s22, s13;
	s6 =	sshrl.u32 s6, $0x3;
	s19 =	smul.u32 $0x2700, s9  }
0x10: {  	p0 =	sgt.u32 s9, $0x7;
	s9 =	simm.s32 $0x6;
	s0 =	sadd.s32 s6, s0  }
0x11: {  	s6 =	ssub.s32 s26, s15;
	s26 =	sshll.u32 s14, $0x3;
	s16 =	sadd.s32 s7, s28  }
0x12: {  	s17 =	sadd.s32 s10, s28;
	s18 =	sadd.s32 $0x270, s28;
	[dreg:$0x8] =	wrdreg s16  }
0x13: {  	s21 =	sor.u32 $0x8, s28;
	s6 =	smax.u32 s6, $0x1;
	[dreg:$0x9] =	wrdreg s17  }
0x14: {  	s11 =	sshrl.u32 s19, $0x3;
	s19 =	sadd.s32 $0x17000, s0;
	[dreg:$0x13] =	wrdreg s6  }
0x15: {  	s28 =	sor.u32 $0x9C00, s26;
	s23 =	sadd.s32 $0x17800, s0;
	[dreg:$0x16] =	wrdreg s19  }
0x16: {  	s26 =	sadd.s32 $0x18400, s0;
	s20 =	sadd.s32 s7, s18;
	[dreg:$0x18] =	wrdreg s23  }
0x17: {  	s8 =	sadd.s32 s10, s18;
	s15 =	sadd.s32 s7, s21;
	[dreg:$0x1b] =	wrdreg s26  }
0x18: {  	s11 =	sadd.s32 $0x278, s11;
	s13 =	sadd.s32 s7, s28;
	[dreg:$0xa] =	wrdreg s20  }
0x19: {  	s16 =	sadd.s32 s5, s7;
	s5 =	sadd.s32 s5, s10;
	[dreg:$0xb] =	wrdreg s8  }
0x1a: {  	s17 =	sadd.s32 $0x16800, s0;
	s18 =	sadd.s32 $0x16C00, s0;
	[dreg:$0xc] =	wrdreg s15  }
0x1b: {  	s6 =	simm.s32 $0x1CC00;
	s23 =	simm.s32 $0x14400;
	[dreg:$0x10] =	wrdreg s13  }
0x1c: {  	s26 =	simm.s32 $0x1;
	s8 =	sadd.s32 s10, s21;
	[dreg:$0x14] =	wrdreg s17  }
0x1d: {  	s24 =	sadd.s32 s7, s11;
	s11 =	sadd.s32 s10, s11;
	[dreg:$0x15] =	wrdreg s18  }
0x1e: {  	s15 =	smul.u32 $0x4E0, s14;
	s20 =	sadd.s32 $0x17400, s0;
	[dreg:$0xd] =	wrdreg s8  }
0x1f: {  	s14 =	simm.s32 $0x14380;
	s13 =	simm.s32 $0x5;
	[dreg:$0xe] =	wrdreg s24  }
0x20: {  	s17 =	simm.s32 $0x7;
	s7 =	simm.s32 $0x9;
	[dreg:$0xf] =	wrdreg s11  }
0x21: {  	s18 =	simm.s32 $0xD;
	s11 =	sadd.s32 s10, s28;
	[dreg:$0x17] =	wrdreg s20  }
0x22: {  	s8 =	sand.u32 $0x380, s25;
	s24 =	sadd.s32 $0x17C00, s0;
	[dreg:$0x11] =	wrdreg s11  }
0x23: {  	s25 =	sadd.s32 $0x18000, s0;
	s28 =	sadd.s32 $0x18800, s0;
	[dreg:$0x19] =	wrdreg s24  }
0x24: {  	s0 =	sadd.s32 $0x18C00, s0;
	s8 =	sor.u32 s8, s12;
	[dreg:$0x1a] =	wrdreg s25  }
.Ltmp0:
0x25: {  	s21 =	sadd.s32 s15, s16;
	[dreg:$0x1c] =	wrdreg s28;
	(pc) =	sbr.rel .LBB2_1-.Ltmp0, $4  }
0x26: {  	s22 =	sadd.s32 s15, s5;
	[dreg:$0x1d] =	wrdreg s0;
	s24 =	simm.s32 $0x14480  }
0x27: {  	s25 =	simm.s32 $0x14500;
	s11 =	simm.s32 $0x3;
	s8 =	sshrl.u32 s8, $0x3  }
0x28: {  	s15 =	simm.s32 $0xA;
	s5 =	simm.s32 $0xB;
	s4 =	sadd.s32 s4, s8  }
0x29: {  	v0 =	vimm.f32 $1.000000000e+00;
	s0 =	simm.s32 $0x0;
	s8 =	simm.s32 $0x40;
	[dreg:$0x12] =	wrdreg s4  }
.LBB2_4:
0x2a: {  	_ =	swait.ge [sflag:s5], $0x2000  }
0x2b: {  	[sflag:s5] =	ssyncset.done $0x0  }
0x2c: {  	[sflag:s5] =	ssyncadd.s32 $0xFFFFE000  }
0x2d: {  	_ =	swait.ge [sflag:s18], $0x2000  }
0x2e: {  	s19 =	simm.s32 @!p0 $0x0;
	[sflag:s18] =	ssyncset.done $0x0  }
0x2f: {  	s20 =	simm.s32 @!p0 $0x14000;
	s23 =	rddreg [dreg:$0x10];
	[sflag:s18] =	ssyncadd.s32 $0xFFFFE000  }
0x30: {  	[tilespmem:s20], [sflag:$0x2] =	stream.linear.gather @!p0 [hbm4b:s23+s19], $0x40, $0x38;
	[tilespmem:$0x1F400] =	vst v63  }
0x31: {  	s24 =	rddreg [dreg:$0x11];
	s23 =	simm.s32 @!p0 $0x14080  }
0x32: {  	[tilespmem:s23], [sflag:$0x2] =	stream.linear.gather @!p0 [hbm4b:s24+s19], $0x40, $0x38;
	[tilespmem:$0x1F400] =	vst v63  }
0x33: {  	s19 =	simm.s32 @!p0 $0x2  }
0x34: {  	_ =	swait.ge @!p0 [sflag:s19], $0x40  }
0x35: {  	[sflag:s19] =	ssyncset.done @!p0 $0x0  }
0x36: {  	[sflag:s19] =	ssyncadd.s32 @!p0 $0xFFFFFFC0  }
0x37: {  	_ =	swait.ge @!p0 [sflag:s19], $0x40  }
0x38: {  	[sflag:s19] =	ssyncset.done @!p0 $0x0  }
0x39: {  	s24 =	simm.s32 @!p0 $0x14C00;
	[sflag:s19] =	ssyncadd.s32 @!p0 $0xFFFFFFC0;
	s19 =	simm.s32 @!p0 $0x40  }
0x3a: {  	[tilespmem:s24], [sflag:$0x6] =	stream.indirect.gather @!p0 [hbm4b:s1+s19], $0x80, s23, s19, $0xb8;
	[tilespmem:$0x1F400] =	vst v63  }
0x3b: {  	s23 =	simm.s32 @!p0 $0x6  }
0x3c: {  	_ =	swait.ge @!p0 [sflag:s23], $0x2000  }
0x3d: {  	[sflag:s23] =	ssyncset.done @!p0 $0x0  }
0x3e: {  	[sflag:s23] =	ssyncadd.s32 @!p0 $0xFFFFE000  }
0x3f: {  	[spmem:s2] =	stream.indirect.scatter.add.f32 @!p0 [tilespmem:s24], [sflag:$0xA], $0x80, s20, s19, $0xb8;
	[tilespmem:$0x1F400] =	vst v63  }
0x40: {  	v1 =	vld @!p0 [tilespmem:$0x14000];
	_ =	sdelay $0x6  }
0x41: {  	v2 =	vimm.f32 @!p0 $1.000000000e+00;
	s19 =	simm.s32 @!p0 $0x1CC00  }
0x42: {  	[tilespmem:v1+s19+$0x0] =	vst.idx.add.f32.msk @!p0 $0xffff, v2  }
0x43: {  	v1 =	vld @!p0 [tilespmem:$0x14010];
	_ =	sdelay $0x7  }
0x44: {  	[tilespmem:v1+s19+$0x0] =	vst.idx.add.f32.msk @!p0 $0xffff, v2  }
0x45: {  	v1 =	vld @!p0 [tilespmem:$0x14020];
	_ =	sdelay $0x7  }
0x46: {  	[tilespmem:v1+s19+$0x0] =	vst.idx.add.f32.msk @!p0 $0xffff, v2  }
0x47: {  	v1 =	vld @!p0 [tilespmem:$0x14030];
	_ =	sdelay $0x7  }
0x48: {  	[tilespmem:v1+s19+$0x0] =	vst.idx.add.f32.msk @!p0 $0xffff, v2;
	s19 =	simm.s32 @!p0 $0xA  }
0x49: {  	_ =	swait.ge @!p0 [sflag:s19], $0x2000  }
0x4a: {  	[sflag:s19] =	ssyncset.done @!p0 $0x0  }
0x4b: {  	[sflag:s19] =	ssyncadd.s32 @!p0 $0xFFFFE000  }
0x4c: {  	[bflag:$0x0] =	sbarrier.arrive $0xFFFF  }
0x4d: {  	s0 =	simm.s32 $0x80;
	s4 =	simm.s32 $0x400;
	s12 =	rddreg [dreg:$0x12]  }
0x4e: {  	[hbm4b:s12+s0] =	stream.strided.scatter [tilespmem:s6], [sflag:$0x1], $0x2800, s4, s0, $0x38;
	[tilespmem:$0x1F400] =	vst v63  }
0x4f: {  	s23 =	simm.s32 $0x14400;
	s0 =	simm.s32 $0x14C00  }
0x50: {  	[tilespmem:s0], [sflag:$0x6] =	stream.indirect.gather [spmem:s2], $0x80, s23, s8, $0xb8;
	[tilespmem:$0x1F400] =	vst v63  }
0x51: {  	_ =	swait.ge [sflag:s9], $0x2000  }
0x52: {  	[sflag:s9] =	ssyncset.done $0x0  }
0x53: {  	s14 =	rddreg [dreg:$0x14];
	[sflag:s9] =	ssyncadd.s32 $0xFFFFE000  }
0x54: {  	[hbm4b:s14+s3] =	stream.linear.scatter [tilespmem:s0], [sflag:$0xA], $0x2000, $0x38;
	[tilespmem:$0x1F400] =	vst v63  }
0x55: {  	s24 =	simm.s32 $0x14480;
	s4 =	simm.s32 $0x16C00  }
0x56: {  	[tilespmem:s4], [sflag:$0x7] =	stream.indirect.gather [spmem:s2], $0x80, s24, s8, $0xb8;
	[tilespmem:$0x1F400] =	vst v63  }
0x57: {  	_ =	swait.ge [sflag:s17], $0x2000  }
0x58: {  	[sflag:s17] =	ssyncset.done $0x0  }
0x59: {  	s16 =	rddreg [dreg:$0x15];
	[sflag:s17] =	ssyncadd.s32 $0xFFFFE000  }
0x5a: {  	[hbm4b:s16+s3] =	stream.linear.scatter [tilespmem:s4], [sflag:$0xB], $0x2000, $0x38;
	[tilespmem:$0x1F400] =	vst v63  }
0x5b: {  	_ =	swait.ge [sflag:s15], $0x2000  }
0x5c: {  	[sflag:s15] =	ssyncset.done $0x0  }
0x5d: {  	s25 =	simm.s32 $0x14500;
	[sflag:s15] =	ssyncadd.s32 $0xFFFFE000  }
0x5e: {  	[tilespmem:s0], [sflag:$0x6] =	stream.indirect.gather [spmem:s2], $0x80, s25, s8, $0xb8;
	[tilespmem:$0x1F400] =	vst v63  }
0x5f: {  	_ =	swait.ge [sflag:s5], $0x2000  }
0x60: {  	[sflag:s5] =	ssyncset.done $0x0  }
0x61: {  	[sflag:s5] =	ssyncadd.s32 $0xFFFFE000  }
0x62: {  	_ =	swait.ge [sflag:s9], $0x2000  }
0x63: {  	[sflag:s9] =	ssyncset.done $0x0  }
0x64: {  	s20 =	rddreg [dreg:$0x16];
	[sflag:s9] =	ssyncadd.s32 $0xFFFFE000  }
0x65: {  	[hbm4b:s20+s3] =	stream.linear.scatter [tilespmem:s0], [sflag:$0xA], $0x2000, $0x38;
	[tilespmem:$0x1F400] =	vst v63  }
0x66: {  	s29 =	simm.s32 $0x14580  }
0x67: {  	[tilespmem:s4], [sflag:$0x7] =	stream.indirect.gather [spmem:s2], $0x80, s29, s8, $0xb8;
	[tilespmem:$0x1F400] =	vst v63  }
0x68: {  	_ =	swait.ge [sflag:s17], $0x2000  }
0x69: {  	[sflag:s17] =	ssyncset.done $0x0  }
0x6a: {  	s26 =	rddreg [dreg:$0x17];
	[sflag:s17] =	ssyncadd.s32 $0xFFFFE000  }
0x6b: {  	[hbm4b:s26+s3] =	stream.linear.scatter [tilespmem:s4], [sflag:$0xB], $0x2000, $0x38;
	[tilespmem:$0x1F400] =	vst v63  }
0x6c: {  	_ =	swait.ge [sflag:s15], $0x2000  }
0x6d: {  	[sflag:s15] =	ssyncset.done $0x0  }
0x6e: {  	s28 =	simm.s32 $0x14600;
	[sflag:s15] =	ssyncadd.s32 $0xFFFFE000  }
0x6f: {  	[tilespmem:s0], [sflag:$0x6] =	stream.indirect.gather [spmem:s2], $0x80, s28, s8, $0xb8;
	[tilespmem:$0x1F400] =	vst v63  }
0x70: {  	_ =	swait.ge [sflag:s5], $0x2000  }
0x71: {  	[sflag:s5] =	ssyncset.done $0x0  }
0x72: {  	[sflag:s5] =	ssyncadd.s32 $0xFFFFE000  }
0x73: {  	_ =	swait.ge [sflag:s9], $0x2000  }
0x74: {  	[sflag:s9] =	ssyncset.done $0x0  }
0x75: {  	s10 =	rddreg [dreg:$0x18];
	[sflag:s9] =	ssyncadd.s32 $0xFFFFE000  }
0x76: {  	[hbm4b:s10+s3] =	stream.linear.scatter [tilespmem:s0], [sflag:$0xA], $0x2000, $0x38;
	[tilespmem:$0x1F400] =	vst v63  }
0x77: {  	s12 =	simm.s32 $0x14680  }
0x78: {  	[tilespmem:s4], [sflag:$0x7] =	stream.indirect.gather [spmem:s2], $0x80, s12, s8, $0xb8;
	[tilespmem:$0x1F400] =	vst v63  }
0x79: {  	_ =	swait.ge [sflag:s17], $0x2000  }
0x7a: {  	[sflag:s17] =	ssyncset.done $0x0  }
0x7b: {  	s14 =	rddreg [dreg:$0x19];
	[sflag:s17] =	ssyncadd.s32 $0xFFFFE000  }
0x7c: {  	[hbm4b:s14+s3] =	stream.linear.scatter [tilespmem:s4], [sflag:$0xB], $0x2000, $0x38;
	[tilespmem:$0x1F400] =	vst v63  }
0x7d: {  	_ =	swait.ge [sflag:s15], $0x2000  }
0x7e: {  	[sflag:s15] =	ssyncset.done $0x0  }
0x7f: {  	s16 =	simm.s32 $0x14700;
	[sflag:s15] =	ssyncadd.s32 $0xFFFFE000  }
0x80: {  	[tilespmem:s0], [sflag:$0x6] =	stream.indirect.gather [spmem:s2], $0x80, s16, s8, $0xb8;
	[tilespmem:$0x1F400] =	vst v63  }
0x81: {  	_ =	swait.ge [sflag:s5], $0x2000  }
0x82: {  	[sflag:s5] =	ssyncset.done $0x0  }
0x83: {  	[sflag:s5] =	ssyncadd.s32 $0xFFFFE000  }
0x84: {  	_ =	swait.ge [sflag:s9], $0x2000  }
0x85: {  	[sflag:s9] =	ssyncset.done $0x0  }
0x86: {  	s20 =	rddreg [dreg:$0x1a];
	[sflag:s9] =	ssyncadd.s32 $0xFFFFE000  }
0x87: {  	[hbm4b:s20+s3] =	stream.linear.scatter [tilespmem:s0], [sflag:$0xA], $0x2000, $0x38;
	[tilespmem:$0x1F400] =	vst v63  }
0x88: {  	s26 =	simm.s32 $0x14780  }
0x89: {  	[tilespmem:s4], [sflag:$0x7] =	stream.indirect.gather [spmem:s2], $0x80, s26, s8, $0xb8;
	[tilespmem:$0x1F400] =	vst v63  }
0x8a: {  	_ =	swait.ge [sflag:s17], $0x2000  }
0x8b: {  	[sflag:s17] =	ssyncset.done $0x0  }
0x8c: {  	s28 =	rddreg [dreg:$0x1b];
	[sflag:s17] =	ssyncadd.s32 $0xFFFFE000  }
0x8d: {  	[hbm4b:s28+s3] =	stream.linear.scatter [tilespmem:s4], [sflag:$0xB], $0x2000, $0x38;
	[tilespmem:$0x1F400] =	vst v63  }
0x8e: {  	_ =	swait.ge [sflag:s15], $0x2000  }
0x8f: {  	[sflag:s15] =	ssyncset.done $0x0  }
0x90: {  	s10 =	simm.s32 $0x14800;
	[sflag:s15] =	ssyncadd.s32 $0xFFFFE000  }
0x91: {  	[tilespmem:s0], [sflag:$0x6] =	stream.indirect.gather [spmem:s2], $0x80, s10, s8, $0xb8;
	[tilespmem:$0x1F400] =	vst v63  }
0x92: {  	_ =	swait.ge [sflag:s5], $0x2000  }
0x93: {  	[sflag:s5] =	ssyncset.done $0x0  }
0x94: {  	[sflag:s5] =	ssyncadd.s32 $0xFFFFE000  }
0x95: {  	_ =	swait.ge [sflag:s9], $0x2000  }
0x96: {  	[sflag:s9] =	ssyncset.done $0x0  }
0x97: {  	s12 =	rddreg [dreg:$0x1c];
	[sflag:s9] =	ssyncadd.s32 $0xFFFFE000  }
0x98: {  	[hbm4b:s12+s3] =	stream.linear.scatter [tilespmem:s0], [sflag:$0xA], $0x2000, $0x38;
	[tilespmem:$0x1F400] =	vst v63  }
0x99: {  	s14 =	simm.s32 $0x14880  }
0x9a: {  	[tilespmem:s4], [sflag:$0x7] =	stream.indirect.gather [spmem:s2], $0x80, s14, s8, $0xb8;
	[tilespmem:$0x1F400] =	vst v63  }
0x9b: {  	_ =	swait.ge [sflag:s17], $0x2000  }
0x9c: {  	[sflag:s17] =	ssyncset.done $0x0  }
0x9d: {  	s16 =	rddreg [dreg:$0x1d];
	[sflag:s17] =	ssyncadd.s32 $0xFFFFE000  }
0x9e: {  	[hbm4b:s16+s3] =	stream.linear.scatter [tilespmem:s4], [sflag:$0xB], $0x2000, $0x38;
	[tilespmem:$0x1F400] =	vst v63  }
0x9f: {  	_ =	swait.ge [sflag:s15], $0x2000  }
0xa0: {  	[sflag:s15] =	ssyncset.done $0x0  }
0xa1: {  	[sflag:s15] =	ssyncadd.s32 $0xFFFFE000  }
0xa2: {  	_ =	swait.ge [sflag:s5], $0x2000  }
0xa3: {  	[sflag:s5] =	ssyncset.done $0x0  }
0xa4: {  	s26 =	simm.s32 $0x1;
	[sflag:s5] =	ssyncadd.s32 $0xFFFFE000  }
0xa5: {  	_ =	swait.ge [sflag:s26], $0x2800  }
0xa6: {  	s20 =	rddreg [dreg:$0x1e]  }
0xa7: {  	s28 =	rddreg [dreg:$0x13];
	s0 =	sadd.s32 $0x1, s20  }
0xa8: {  	p1 =	sne.s32 s0, s28  }
.Ltmp1:
0xa9: {  	_ = 	snop;
	(pc) =	sbr.rel @!p1 .LBB2_5-.Ltmp1, $3  }
0xaa: {  	_ =	sdelay $0x1  }
0xab: {  	[sflag:s26] =	ssyncset.done $0x0  }
0xac: {  	s14 =	simm.s32 $0x14380;
	[sflag:s26] =	ssyncadd.s32 $0xFFFFD800  }
.LBB2_1:
0xad: {  	[dreg:$0x1e] =	wrdreg s0  }
0xae: {  	s19 =	rddreg [dreg:$0x5];
	s4 =	simm.s32 $0x14C00;
	s20 =	simm.s32 $0xE  }
0xaf: {  	[tilespmem:s4], [sflag:$0xE] =	stream.linear.gather [hbm4b:s19+s3], $0x2000, $0x38;
	[tilespmem:$0x1F400] =	vst v63  }
0xb0: {  	_ =	swait.ge [sflag:s20], $0x2000  }
0xb1: {  	[sflag:s20] =	ssyncset.done $0x0  }
0xb2: {  	s19 =	rddreg [dreg:$0x6];
	[sflag:s20] =	ssyncadd.s32 $0xFFFFE000  }
0xb3: {  	[tilespmem:s6], [sflag:$0xE] =	stream.linear.gather [hbm4b:s19+s3], $0x2800, $0x38;
	[tilespmem:$0x1F400] =	vst v63  }
0xb4: {  	_ =	swait.ge [sflag:s20], $0x2800  }
0xb5: {  	[sflag:s20] =	ssyncset.done $0x0  }
0xb6: {  	s19 =	rddreg [dreg:$0x7];
	[sflag:s20] =	ssyncadd.s32 $0xFFFFD800  }
0xb7: {  	[tilespmem:s23], [sflag:$0xE] =	stream.linear.gather [hbm4b:s19+s3], $0x500, $0x38;
	[tilespmem:$0x1F400] =	vst v63  }
0xb8: {  	_ =	swait.ge [sflag:s20], $0x500  }
0xb9: {  	[sflag:s20] =	ssyncset.done $0x0  }
0xba: {  	[sflag:s20] =	ssyncadd.s32 $0xFFFFFB00  }
0xbb: {  	[spmem:s2] =	stream.indirect.scatter [tilespmem:s4], [sflag:$0x1], $0x80, s23, s8, $0xb8;
	[tilespmem:$0x1F400] =	vst v63  }
0xbc: {  	_ = 	snop  }
0xbd: {  	[spmem:s2] =	stream.indirect.scatter [tilespmem:s4], [sflag:$0x1], $0x80, s24, s8, $0xb8;
	[tilespmem:$0x1F400] =	vst v63  }
0xbe: {  	_ = 	snop  }
0xbf: {  	[spmem:s2] =	stream.indirect.scatter [tilespmem:s4], [sflag:$0x1], $0x80, s25, s8, $0xb8;
	[tilespmem:$0x1F400] =	vst v63  }
0xc0: {  	_ = 	snop  }
0xc1: {  	[spmem:s2] =	stream.indirect.scatter [tilespmem:s4], [sflag:$0x1], $0x80, s29, s8, $0xb8;
	[tilespmem:$0x1F400] =	vst v63  }
0xc2: {  	s29 =	simm.s32 $0x14600  }
0xc3: {  	[spmem:s2] =	stream.indirect.scatter [tilespmem:s4], [sflag:$0x1], $0x80, s29, s8, $0xb8;
	[tilespmem:$0x1F400] =	vst v63  }
0xc4: {  	s28 =	simm.s32 $0x14680  }
0xc5: {  	[spmem:s2] =	stream.indirect.scatter [tilespmem:s4], [sflag:$0x1], $0x80, s28, s8, $0xb8;
	[tilespmem:$0x1F400] =	vst v63  }
0xc6: {  	s16 =	simm.s32 $0x14700  }
0xc7: {  	[spmem:s2] =	stream.indirect.scatter [tilespmem:s4], [sflag:$0x1], $0x80, s16, s8, $0xb8;
	[tilespmem:$0x1F400] =	vst v63  }
0xc8: {  	s12 =	simm.s32 $0x14780  }
0xc9: {  	[spmem:s2] =	stream.indirect.scatter [tilespmem:s4], [sflag:$0x1], $0x80, s12, s8, $0xb8;
	[tilespmem:$0x1F400] =	vst v63  }
0xca: {  	s10 =	simm.s32 $0x14800  }
0xcb: {  	[spmem:s2] =	stream.indirect.scatter [tilespmem:s4], [sflag:$0x1], $0x80, s10, s8, $0xb8;
	[tilespmem:$0x1F400] =	vst v63  }
0xcc: {  	s0 =	simm.s32 $0x14880  }
0xcd: {  	[spmem:s2] =	stream.indirect.scatter [tilespmem:s4], [sflag:$0x1], $0x80, s0, s8, $0xb8;
	[tilespmem:$0x1F400] =	vst v63  }
0xce: {  	s20 =	rddreg [dreg:$0x8];
	s23 =	simm.s32 $0x14000  }
0xcf: {  	[tilespmem:s23], [sflag:$0x2] =	stream.linear.gather [hbm4b:s20+s3], $0x40, $0x38;
	[tilespmem:$0x1F400] =	vst v63  }
0xd0: {  	s24 =	rddreg [dreg:$0x9];
	s20 =	simm.s32 $0x14080  }
0xd1: {  	[tilespmem:s20], [sflag:$0x2] =	stream.linear.gather [hbm4b:s24+s3], $0x40, $0x38;
	[tilespmem:$0x1F400] =	vst v63  }
0xd2: {  	s25 =	rddreg [dreg:$0xa];
	s29 =	simm.s32 $0x14200  }
0xd3: {  	[tilespmem:s29], [sflag:$0x4] =	stream.linear.gather [hbm4b:s25+s3], $0x40, $0x38;
	[tilespmem:$0x1F400] =	vst v63  }
0xd4: {  	s10 =	simm.s32 $0x14280;
	s0 =	rddreg [dreg:$0xb]  }
0xd5: {  	[tilespmem:s10], [sflag:$0x4] =	stream.linear.gather [hbm4b:s0+s3], $0x40, $0x38;
	[tilespmem:$0x1F400] =	vst v63  }
0xd6: {  	s12 =	rddreg [dreg:$0xc];
	s0 =	simm.s32 $0x14100  }
0xd7: {  	[tilespmem:s0], [sflag:$0x3] =	stream.linear.gather [hbm4b:s12+s3], $0x40, $0x38;
	[tilespmem:$0x1F400] =	vst v63  }
0xd8: {  	s16 =	rddreg [dreg:$0xd];
	s24 =	simm.s32 $0x14180  }
0xd9: {  	[tilespmem:s24], [sflag:$0x3] =	stream.linear.gather [hbm4b:s16+s3], $0x40, $0x38;
	[tilespmem:$0x1F400] =	vst v63  }
0xda: {  	s25 =	rddreg [dreg:$0xe];
	s12 =	simm.s32 $0x14300  }
0xdb: {  	[tilespmem:s12], [sflag:$0x5] =	stream.linear.gather [hbm4b:s25+s3], $0x40, $0x38;
	[tilespmem:$0x1F400] =	vst v63  }
0xdc: {  	s29 =	rddreg [dreg:$0xf]  }
0xdd: {  	[tilespmem:s14], [sflag:$0x5] =	stream.linear.gather [hbm4b:s29+s3], $0x40, $0x38;
	[tilespmem:$0x1F400] =	vst v63  }
0xde: {  	_ =	swait.ge [sflag:s26], $0x2000  }
0xdf: {  	[sflag:s26] =	ssyncset.done $0x0  }
0xe0: {  	[sflag:s26] =	ssyncadd.s32 $0xFFFFE000  }
0xe1: {  	_ =	swait.ge [sflag:s26], $0x2000  }
0xe2: {  	[sflag:s26] =	ssyncset.done $0x0  }
0xe3: {  	[sflag:s26] =	ssyncadd.s32 $0xFFFFE000  }
0xe4: {  	_ =	swait.ge [sflag:s26], $0x2000  }
0xe5: {  	[sflag:s26] =	ssyncset.done $0x0  }
0xe6: {  	[sflag:s26] =	ssyncadd.s32 $0xFFFFE000  }
0xe7: {  	_ =	swait.ge [sflag:s26], $0x2000  }
0xe8: {  	[sflag:s26] =	ssyncset.done $0x0  }
0xe9: {  	[sflag:s26] =	ssyncadd.s32 $0xFFFFE000  }
0xea: {  	_ =	swait.ge [sflag:s26], $0x2000  }
0xeb: {  	[sflag:s26] =	ssyncset.done $0x0  }
0xec: {  	[sflag:s26] =	ssyncadd.s32 $0xFFFFE000  }
0xed: {  	_ =	swait.ge [sflag:s26], $0x2000  }
0xee: {  	[sflag:s26] =	ssyncset.done $0x0  }
0xef: {  	[sflag:s26] =	ssyncadd.s32 $0xFFFFE000  }
0xf0: {  	_ =	swait.ge [sflag:s26], $0x2000  }
0xf1: {  	[sflag:s26] =	ssyncset.done $0x0  }
0xf2: {  	[sflag:s26] =	ssyncadd.s32 $0xFFFFE000  }
0xf3: {  	_ =	swait.ge [sflag:s26], $0x2000  }
0xf4: {  	[sflag:s26] =	ssyncset.done $0x0  }
0xf5: {  	[sflag:s26] =	ssyncadd.s32 $0xFFFFE000  }
0xf6: {  	_ =	swait.ge [sflag:s26], $0x2000  }
0xf7: {  	[sflag:s26] =	ssyncset.done $0x0  }
0xf8: {  	[sflag:s26] =	ssyncadd.s32 $0xFFFFE000  }
0xf9: {  	_ =	swait.ge [sflag:s26], $0x2000  }
0xfa: {  	[sflag:s26] =	ssyncset.done $0x0  }
0xfb: {  	[sflag:s26] =	ssyncadd.s32 $0xFFFFE000  }
0xfc: {  	[bflag:$0x0] =	sbarrier.arrive $0xFFFF  }
0xfd: {  	_ =	swait.ge [sflag:s30], $0x40  }
0xfe: {  	[sflag:s30] =	ssyncset.done $0x0  }
0xff: {  	[sflag:s30] =	ssyncadd.s32 $0xFFFFFFC0  }
0x100: {  	_ =	swait.ge [sflag:s30], $0x40  }
0x101: {  	[sflag:s30] =	ssyncset.done $0x0  }
0x102: {  	[sflag:s30] =	ssyncadd.s32 $0xFFFFFFC0  }
0x103: {  	[tilespmem:s4], [sflag:$0x6] =	stream.indirect.gather [hbm4b:s1+s8], $0x80, s20, s8, $0xb8;
	[tilespmem:$0x1F400] =	vst v63  }
0x104: {  	_ =	swait.ge [sflag:s31], $0x40  }
0x105: {  	[sflag:s31] =	ssyncset.done $0x0  }
0x106: {  	[sflag:s31] =	ssyncadd.s32 $0xFFFFFFC0  }
0x107: {  	_ =	swait.ge [sflag:s31], $0x40  }
0x108: {  	s19 =	simm.s32 $0x0;
	[sflag:s31] =	ssyncset.done $0x0  }
0x109: {  	s28 =	simm.s32 $0x14C00;
	s4 =	simm.s32 $0x18C00;
	[sflag:s31] =	ssyncadd.s32 $0xFFFFFFC0  }
0x10a: {  	[tilespmem:s4], [sflag:$0x8] =	stream.indirect.gather [hbm4b:s1+s8], $0x80, s10, s8, $0xb8;
	[tilespmem:$0x1F400] =	vst v63  }
.LBB2_2:
0x10b: {  	_ =	swait.ge [sflag:s9], $0x2000  }
0x10c: {  	[sflag:s9] =	ssyncset.done $0x0  }
0x10d: {  	s20 =	simm.s32 $0x14000;
	s10 =	simm.s32 $0x8;
	[sflag:s9] =	ssyncadd.s32 $0xFFFFE000  }
0x10e: {  	[spmem:s2] =	stream.indirect.scatter.add.f32 [tilespmem:s28], [sflag:$0xA], $0x80, s20, s8, $0xb8;
	[tilespmem:$0x1F400] =	vst v63  }
0x10f: {  	_ =	swait.ge [sflag:s10], $0x2000  }
0x110: {  	[sflag:s10] =	ssyncset.done $0x0  }
0x111: {  	s26 =	simm.s32 $0x14200;
	[sflag:s10] =	ssyncadd.s32 $0xFFFFE000  }
0x112: {  	[spmem:s2] =	stream.indirect.scatter.add.f32 [tilespmem:s4], [sflag:$0xC], $0x80, s26, s8, $0xb8;
	[tilespmem:$0x1F400] =	vst v63  }
0x113: {  	v1 =	vld [tilespmem:$0x14000];
	_ =	sdelay $0x7  }
0x114: {  	[tilespmem:v1+s6+$0x0] =	vst.idx.add.f32.msk $0xffff, v0  }
0x115: {  	v1 =	vld [tilespmem:$0x14010];
	_ =	sdelay $0x7  }
0x116: {  	[tilespmem:v1+s6+$0x0] =	vst.idx.add.f32.msk $0xffff, v0  }
0x117: {  	v1 =	vld [tilespmem:$0x14020];
	_ =	sdelay $0x7  }
0x118: {  	[tilespmem:v1+s6+$0x0] =	vst.idx.add.f32.msk $0xffff, v0  }
0x119: {  	v1 =	vld [tilespmem:$0x14030];
	_ =	sdelay $0x7  }
0x11a: {  	[tilespmem:v1+s6+$0x0] =	vst.idx.add.f32.msk $0xffff, v0  }
0x11b: {  	v1 =	vld [tilespmem:$0x14200];
	_ =	sdelay $0x7  }
0x11c: {  	[tilespmem:v1+s6+$0x0] =	vst.idx.add.f32.msk $0xffff, v0  }
0x11d: {  	v1 =	vld [tilespmem:$0x14210];
	_ =	sdelay $0x7  }
0x11e: {  	[tilespmem:v1+s6+$0x0] =	vst.idx.add.f32.msk $0xffff, v0  }
0x11f: {  	v1 =	vld [tilespmem:$0x14220];
	_ =	sdelay $0x7  }
0x120: {  	[tilespmem:v1+s6+$0x0] =	vst.idx.add.f32.msk $0xffff, v0  }
0x121: {  	v1 =	vld [tilespmem:$0x14230];
	_ =	sdelay $0x7  }
0x122: {  	[tilespmem:v1+s6+$0x0] =	vst.idx.add.f32.msk $0xffff, v0  }
0x123: {  	_ =	swait.ge [sflag:s11], $0x40  }
0x124: {  	[sflag:s11] =	ssyncset.done $0x0  }
0x125: {  	[sflag:s11] =	ssyncadd.s32 $0xFFFFFFC0  }
0x126: {  	_ =	swait.ge [sflag:s11], $0x40  }
0x127: {  	[sflag:s11] =	ssyncset.done $0x0  }
0x128: {  	s10 =	simm.s32 $0x16C00;
	[sflag:s11] =	ssyncadd.s32 $0xFFFFFFC0  }
0x129: {  	[tilespmem:s10], [sflag:$0x7] =	stream.indirect.gather [hbm4b:s1+s8], $0x80, s24, s8, $0xb8;
	[tilespmem:$0x1F400] =	vst v63  }
0x12a: {  	_ =	swait.ge [sflag:s13], $0x40  }
0x12b: {  	[sflag:s13] =	ssyncset.done $0x0  }
0x12c: {  	[sflag:s13] =	ssyncadd.s32 $0xFFFFFFC0  }
0x12d: {  	_ =	swait.ge [sflag:s13], $0x40  }
0x12e: {  	[sflag:s13] =	ssyncset.done $0x0  }
0x12f: {  	s16 =	simm.s32 $0x1AC00;
	[sflag:s13] =	ssyncadd.s32 $0xFFFFFFC0  }
0x130: {  	[tilespmem:s16], [sflag:$0x9] =	stream.indirect.gather [hbm4b:s1+s8], $0x80, s14, s8, $0xb8;
	[tilespmem:$0x1F400] =	vst v63  }
0x131: {  	_ =	swait.ge [sflag:s15], $0x2000  }
0x132: {  	[sflag:s15] =	ssyncset.done $0x0  }
0x133: {  	s29 =	simm.s32 $0xC;
	p1 =	seq.s32 s19, $0x260;
	[sflag:s15] =	ssyncadd.s32 $0xFFFFE000  }
0x134: {  	s20 =	sadd.s32 @!p1 s19, s21;
	_ =	swait.ge [sflag:s29], $0x2000  }
0x135: {  	s23 =	sadd.s32 @!p1 $0x10, s20;
	[sflag:s29] =	ssyncset.done $0x0  }
0x136: {  	s24 =	simm.s32 @!p1 $0x14000;
	[sflag:s29] =	ssyncadd.s32 $0xFFFFE000;
	s29 =	simm.s32 @!p1 $0x0  }
0x137: {  	[tilespmem:s24], [sflag:$0x2] =	stream.linear.gather @!p1 [hbm4b:s23+s29], $0x40, $0x38;
	[tilespmem:$0x1F400] =	vst v63  }
0x138: {  	s23 =	sadd.s32 @!p1 s19, s22  }
0x139: {  	s25 =	simm.s32 @!p1 $0x14080;
	s24 =	sadd.s32 @!p1 $0x10, s23  }
0x13a: {  	[tilespmem:s25], [sflag:$0x2] =	stream.linear.gather @!p1 [hbm4b:s24+s29], $0x40, $0x38;
	[tilespmem:$0x1F400] =	vst v63  }
0x13b: {  	s20 =	sadd.s32 @!p1 $0x280, s20;
	s24 =	simm.s32 @!p1 $0x14200  }
0x13c: {  	[tilespmem:s24], [sflag:$0x4] =	stream.linear.gather @!p1 [hbm4b:s20+s29], $0x40, $0x38;
	[tilespmem:$0x1F400] =	vst v63  }
0x13d: {  	s20 =	sadd.s32 @!p1 $0x280, s23;
	s23 =	simm.s32 @!p1 $0x14280  }
0x13e: {  	[tilespmem:s23], [sflag:$0x4] =	stream.linear.gather @!p1 [hbm4b:s20+s29], $0x40, $0x38;
	[tilespmem:$0x1F400] =	vst v63  }
0x13f: {  	_ =	swait.ge [sflag:s17], $0x2000  }
0x140: {  	[sflag:s17] =	ssyncset.done $0x0  }
0x141: {  	[sflag:s17] =	ssyncadd.s32 $0xFFFFE000  }
0x142: {  	[spmem:s2] =	stream.indirect.scatter.add.f32 [tilespmem:s10], [sflag:$0xB], $0x80, s0, s8, $0xb8;
	[tilespmem:$0x1F400] =	vst v63  }
0x143: {  	_ =	swait.ge [sflag:s7], $0x2000  }
0x144: {  	[sflag:s7] =	ssyncset.done $0x0  }
0x145: {  	[sflag:s7] =	ssyncadd.s32 $0xFFFFE000  }
0x146: {  	[spmem:s2] =	stream.indirect.scatter.add.f32 [tilespmem:s16], [sflag:$0xD], $0x80, s12, s8, $0xb8;
	[tilespmem:$0x1F400] =	vst v63  }
0x147: {  	v1 =	vld [tilespmem:$0x14100];
	_ =	sdelay $0x7  }
0x148: {  	[tilespmem:v1+s6+$0x0] =	vst.idx.add.f32.msk $0xffff, v0  }
0x149: {  	v1 =	vld [tilespmem:$0x14110];
	_ =	sdelay $0x7  }
0x14a: {  	[tilespmem:v1+s6+$0x0] =	vst.idx.add.f32.msk $0xffff, v0  }
0x14b: {  	v1 =	vld [tilespmem:$0x14120];
	_ =	sdelay $0x7  }
0x14c: {  	[tilespmem:v1+s6+$0x0] =	vst.idx.add.f32.msk $0xffff, v0  }
0x14d: {  	v1 =	vld [tilespmem:$0x14130];
	_ =	sdelay $0x7  }
0x14e: {  	[tilespmem:v1+s6+$0x0] =	vst.idx.add.f32.msk $0xffff, v0  }
0x14f: {  	v1 =	vld [tilespmem:$0x14300];
	_ =	sdelay $0x7  }
0x150: {  	[tilespmem:v1+s6+$0x0] =	vst.idx.add.f32.msk $0xffff, v0  }
0x151: {  	v1 =	vld [tilespmem:$0x14310];
	_ =	sdelay $0x7  }
0x152: {  	[tilespmem:v1+s6+$0x0] =	vst.idx.add.f32.msk $0xffff, v0  }
0x153: {  	v1 =	vld [tilespmem:$0x14320];
	_ =	sdelay $0x7  }
0x154: {  	[tilespmem:v1+s6+$0x0] =	vst.idx.add.f32.msk $0xffff, v0  }
0x155: {  	v1 =	vld [tilespmem:$0x14330];
	_ =	sdelay $0x3  }
.Ltmp2:
0x156: {  	_ = 	snop;
	(pc) =	sbr.rel @p1 .LBB2_4-.Ltmp2, $3  }
0x157: {  	_ =	sdelay $0x1  }
0x158: {  	s26 =	simm.s32 $0x14380;
	s4 =	simm.s32 $0x18C00  }
0x159: {  	s14 =	simm.s32 $0x14180;
	s0 =	simm.s32 $0x14100;
	s12 =	simm.s32 $0x14300;
	[tilespmem:v1+s6+$0x0] =	vst.idx.add.f32.msk $0xffff, v0  }
0x15a: {  	_ =	swait.ge [sflag:s30], $0x40  }
0x15b: {  	[sflag:s30] =	ssyncset.done $0x0  }
0x15c: {  	[sflag:s30] =	ssyncadd.s32 $0xFFFFFFC0  }
0x15d: {  	_ =	swait.ge [sflag:s30], $0x40  }
0x15e: {  	[sflag:s30] =	ssyncset.done $0x0  }
0x15f: {  	s20 =	simm.s32 $0x14080;
	[sflag:s30] =	ssyncadd.s32 $0xFFFFFFC0  }
0x160: {  	[tilespmem:s28], [sflag:$0x6] =	stream.indirect.gather [hbm4b:s1+s8], $0x80, s20, s8, $0xb8;
	[tilespmem:$0x1F400] =	vst v63  }
0x161: {  	_ =	swait.ge [sflag:s31], $0x40  }
0x162: {  	[sflag:s31] =	ssyncset.done $0x0  }
0x163: {  	[sflag:s31] =	ssyncadd.s32 $0xFFFFFFC0  }
0x164: {  	_ =	swait.ge [sflag:s31], $0x40  }
0x165: {  	[sflag:s31] =	ssyncset.done $0x0  }
0x166: {  	s10 =	simm.s32 $0x14280;
	[sflag:s31] =	ssyncadd.s32 $0xFFFFFFC0  }
0x167: {  	[tilespmem:s4], [sflag:$0x8] =	stream.indirect.gather [hbm4b:s1+s8], $0x80, s10, s8, $0xb8;
	[tilespmem:$0x1F400] =	vst v63  }
0x168: {  	_ =	swait.ge [sflag:s5], $0x2000  }
0x169: {  	[sflag:s5] =	ssyncset.done $0x0  }
0x16a: {  	[sflag:s5] =	ssyncadd.s32 $0xFFFFE000  }
0x16b: {  	_ =	swait.ge [sflag:s18], $0x2000  }
0x16c: {  	s16 =	sadd.s32 s19, s21;
	[sflag:s18] =	ssyncset.done $0x0  }
0x16d: {  	s25 =	sadd.s32 s19, s22;
	s23 =	sadd.s32 $0x18, s16;
	[sflag:s18] =	ssyncadd.s32 $0xFFFFE000  }
0x16e: {  	[tilespmem:s0], [sflag:$0x3] =	stream.linear.gather [hbm4b:s23+s3], $0x40, $0x38;
	[tilespmem:$0x1F400] =	vst v63  }
0x16f: {  	s24 =	sadd.s32 $0x18, s25  }
0x170: {  	[tilespmem:s14], [sflag:$0x3] =	stream.linear.gather [hbm4b:s24+s3], $0x40, $0x38;
	[tilespmem:$0x1F400] =	vst v63  }
.Ltmp3:
0x171: {  	s19 =	sadd.s32 $0x10, s19;
	s29 =	sadd.s32 $0x288, s25;
	(pc) =	sbr.rel .LBB2_2-.Ltmp3, $4  }
0x172: {  	s20 =	sadd.s32 $0x288, s16;
	s4 =	simm.s32 $0x18C00;
	s0 =	simm.s32 $0x14100  }
0x173: {  	[tilespmem:s12], [sflag:$0x5] =	stream.linear.gather [hbm4b:s20+s3], $0x40, $0x38;
	[tilespmem:$0x1F400] =	vst v63  }
0x174: {  	s24 =	simm.s32 $0x14180;
	s14 =	simm.s32 $0x14380;
	s12 =	simm.s32 $0x14300  }
0x175: {  	[tilespmem:s26], [sflag:$0x5] =	stream.linear.gather [hbm4b:s29+s3], $0x40, $0x38;
	[tilespmem:$0x1F400] =	vst v63  }
.LBB2_5:
0x176: {  	_ =	sfence.sel $0x180000  }
0x177: {  	[bflag:$0x0] =	sbarrier.arrive $0xFFFF  }
0x178: {  	_ =	strace $0x90000047  }
0x179: {  	s0 =	stileid.u32;
	[bflag:$0x2] =	sbarrier.arrive $0xFFFF  }
0x17a: {  	p0 =	sne.s32 s0, $0x0;
	s0 =	rddreg [dreg:$0x4]  }
0x17b: {  	s0 =	sadd.s32 @!p0 $0x100000, s0  }
0x17c: {  	[sflag:s0] =	ssyncadd.tile.s32 @!p0 $0x1;
	_ =	shalt  }
.Lfunc_end2:
_tile_overlayer_lowered:
.L_overlay_start_2:
0x17d: {  	(tag) =	ssettag $0x2  }
0x17e: {  	s0 =	rddreg [dreg:$0x0];
	s2 =	stileid.u32  }
0x17f: {  	s1 =	rddreg [dreg:$0x1];
	p0 =	sne.s32 s2, $0x0  }
0x180: {  	s3 =	rddreg [dreg:$0x2];
	[bflag:$0x3] =	sbarrier.arrive $0xFFFF;
	s2 =	simm.s32 @!p0 $0x1C0E  }
0x181: {  	[timem:s3], [sflag:s2] =	dma.local @!p0 [hbm:s0], s1  }
0x182: {  	s0 =	simm.s32 @!p0 $0xE  }
0x183: {  	_ =	swait.ge @!p0 [sflag:s0], s1  }
0x184: {  	s1 =	ssub.s32 @!p0 $0x0, s1;
	[sflag:s0] =	ssyncset.done @!p0 $0x0  }
0x185: {  	[sflag:s0] =	ssyncadd.s32 @!p0 s1  }
0x186: {  	[bflag:$0x3] =	sbarrier.arrive $0xFFFF  }
0x187: {  	_ =	shalt  }

</sc_bundles>
